<compile_context>
chip_gen: v7x
topology: tpu7x:2x2x1
jax: 0.10.2.dev20260603
libtpu: 0.0.44.dev20260713+nightly
codegen_flags: <defaults>
</compile_context>

<pallas_src>
import functools

import jax
import jax.numpy as jnp
from jax import lax
from jax.experimental import pallas as pl
from jax.experimental.pallas import tpu as pltpu
from jax.experimental.pallas import tpu_sc as plsc

_B, _C, _N = 8, 32, 2048
_OUT, _SR, _K = 64, 2, 4
_TN = 1024
_NT = _N // _TN
_HB = _B // 2
_F32 = jnp.float32
_I32 = jnp.int32

_D = 128
_CH = 512


def _tc1_body(x_full_ref, x_tile_ref, idx_ref, tab_ref):
  xb = x_full_ref[0]
  xt = x_tile_ref[0]

  col_n2 = jnp.sum(xb * xb, axis=0, keepdims=True)
  row_n2 = jnp.sum(xt * xt, axis=0)[:, None]
  prod = jax.lax.dot_general(xt, xb, (((0,), (0,)), ((), ())),
                             preferred_element_type=_F32)
  inner = -2.0 * prod
  dist = -col_n2 - inner - row_n2

  iota = jax.lax.broadcasted_iota(_I32, (_TN, _N), 1)
  base = pl.program_id(0) * _N

  cols = []
  for _ in range(_K):
    idx = jnp.argmax(dist, axis=1)[:, None]
    dist = jnp.where(iota == idx, -jnp.inf, dist)
    cols.append(idx + base)
  idxcat = jnp.concatenate(cols + cols, axis=1)
  idx_ref[0] = jnp.transpose(idxcat, (1, 0))
  tab_ref[0] = jnp.concatenate(
      [jnp.transpose(xt, (1, 0)), jnp.zeros((_TN, _D - _C), _F32)], axis=1)


def _tc2_body(xT_ref, g0_ref, g1_ref, g2_ref, g3_ref,
              W1_ref, b1_ref, W2_ref, b2_ref, W3blk_ref, b3blk_ref, out_ref):
  xtr = xT_ref[0][:, :_C]
  acc = None
  for g_ref in (g0_ref, g1_ref, g2_ref, g3_ref):
    xg = g_ref[0, 0][:, :_C]
    feat = jnp.concatenate([xtr, xg], axis=1)
    e1 = jax.lax.dot_general(feat, W1_ref[...], (((1,), (1,)), ((), ())),
                             preferred_element_type=_F32)
    e1 = e1 + b1_ref[...]
    g = jax.nn.relu(jnp.concatenate([e1, feat], axis=1))
    e2 = jax.lax.dot_general(g, W2_ref[...], (((1,), (1,)), ((), ())),
                             preferred_element_type=_F32)
    e2 = jax.nn.relu(e2 + b2_ref[...])
    h = jax.lax.dot_general(e2, W3blk_ref[...], (((1,), (0,)), ((), ())),
                            preferred_element_type=_F32)
    h = h + b3blk_ref[...]
    acc = h if acc is None else jnp.maximum(acc, h)
  out_ref[0] = acc


def _make_sc_gather(tot):
  info = plsc.get_sparse_core_info()
  nc, ns = info.num_cores, info.num_subcores
  nw = nc * ns
  per_w = tot // nw
  mesh = plsc.VectorSubcoreMesh(core_axis_name="c", subcore_axis_name="s")

  @functools.partial(
      pl.kernel, mesh=mesh,
      out_type=jax.ShapeDtypeStruct((tot, _D), _F32),
      scratch_types=[
          pltpu.VMEM((per_w,), _I32),
          pltpu.VMEM((_CH, _D), _F32),
          pltpu.SemaphoreType.DMA,
      ],
  )
  def sc_gather(table_hbm, idx_hbm, out_hbm, idx_v, rows_v, sem):
    wid = lax.axis_index("s") * nc + lax.axis_index("c")
    base = wid * per_w
    pltpu.sync_copy(idx_hbm.at[pl.ds(base, per_w)], idx_v)
    for c in range(per_w // _CH):
      pltpu.async_copy(
          table_hbm.at[idx_v.at[pl.ds(c * _CH, _CH)]], rows_v, sem).wait()
      pltpu.sync_copy(rows_v, out_hbm.at[pl.ds(base + c * _CH, _CH)])

  return sc_gather


def _tc1(xh):
  return pl.pallas_call(
      _tc1_body,
      grid=(_HB, _NT),
      in_specs=[
          pl.BlockSpec((1, _C, _N), lambda b, t: (b, 0, 0)),
          pl.BlockSpec((1, _C, _TN), lambda b, t: (b, 0, t)),
      ],
      out_specs=[
          pl.BlockSpec((1, 8, _TN), lambda b, t: (b, 0, t)),
          pl.BlockSpec((1, _TN, _D), lambda b, t: (b, t, 0)),
      ],
      out_shape=[
          jax.ShapeDtypeStruct((_HB, 8, _N), _I32),
          jax.ShapeDtypeStruct((_HB, _N, _D), _F32),
      ],
      compiler_params=pltpu.CompilerParams(
          dimension_semantics=("parallel", "parallel")),
  )(xh, xh)


def _tc2(tab, g4, W1, b1r, W2, b2r, W3blk, b3blk):
  return pl.pallas_call(
      _tc2_body,
      grid=(_HB, _NT),
      in_specs=[
          pl.BlockSpec((1, _TN, _D), lambda b, t: (b, t, 0)),
          pl.BlockSpec((1, 1, _TN, _D), lambda b, t: (b, 0, t, 0)),
          pl.BlockSpec((1, 1, _TN, _D), lambda b, t: (b, 1, t, 0)),
          pl.BlockSpec((1, 1, _TN, _D), lambda b, t: (b, 2, t, 0)),
          pl.BlockSpec((1, 1, _TN, _D), lambda b, t: (b, 3, t, 0)),
          pl.BlockSpec((_OUT, 2 * _C), lambda b, t: (0, 0)),
          pl.BlockSpec((1, _OUT), lambda b, t: (0, 0)),
          pl.BlockSpec((_OUT * _SR, 2 * _C + _OUT), lambda b, t: (0, 0)),
          pl.BlockSpec((1, _OUT * _SR), lambda b, t: (0, 0)),
          pl.BlockSpec((_OUT * _SR, _OUT * _SR), lambda b, t: (0, 0)),
          pl.BlockSpec((1, _OUT * _SR), lambda b, t: (0, 0)),
      ],
      out_specs=pl.BlockSpec((1, _TN, _OUT * _SR), lambda b, t: (b, t, 0)),
      out_shape=jax.ShapeDtypeStruct((_HB, _N, _OUT * _SR), _F32),
      compiler_params=pltpu.CompilerParams(
          dimension_semantics=("parallel", "parallel")),
  )(tab, g4, g4, g4, g4,
    W1, b1r, W2, b2r, W3blk, b3blk)


@jax.jit
def kernel(x, W1, b1, W2, b2, W3, b3):
  b1r = b1.reshape(1, _OUT)
  b2r = b2.reshape(1, _OUT * _SR)
  z = jnp.zeros((_OUT, _OUT), _F32)
  W3blk = jnp.block([[W3.T, z], [z, W3.T]])
  b3blk = jnp.concatenate([b3, b3]).reshape(1, _OUT * _SR)

  halves = [x[h * _HB:(h + 1) * _HB] for h in range(2)]
  tc1_res = [_tc1(xh) for xh in halves]
  gath = [_make_sc_gather(_HB * _K * _N)(
              tab.reshape(_HB * _N, _D),
              idx8[:, :_K, :].reshape(_HB * _K * _N))
          for idx8, tab in tc1_res]
  outs = [_tc2(tc1_res[h][1], gath[h].reshape(_HB, _K, _N, _D),
               W1, b1r, W2, b2r, W3blk, b3blk)
          for h in range(2)]
  out = jnp.concatenate(outs, axis=0)

  return (out.reshape(_B, _N, _SR, _OUT)
          .transpose(0, 3, 1, 2)
          .reshape(_B, _OUT, _N * _SR))

# --- scband reference (transcript-rebuilt; emitter-appended) ---
"""Pipeline reference for scband-ef-expansion-18107582120608 (READ-ONLY COPY).

The authoritative reference and input builder live on the scoring server;
editing this copy changes nothing except your own understanding.
"""

import jax, jax.numpy as jnp
import numpy as np

B, C, N = 8, 32, 2048
OUT, SR, K = 64, 2, 4

def setup_inputs(seed: int = 0) -> dict:
    key = jax.random.key(seed)
    ks = jax.random.split(key, 8)
    x = jax.random.normal(ks[0], (B, C, N), dtype=jnp.float32)
    W1 = jax.random.normal(ks[1], (OUT, 2 * C), dtype=jnp.float32) * (1.0 / np.sqrt(2 * C))
    b1 = jnp.zeros((OUT,), dtype=jnp.float32)
    W2 = jax.random.normal(ks[2], (OUT * SR, 2 * C + OUT), dtype=jnp.float32) * (1.0 / np.sqrt(2 * C + OUT))
    b2 = jnp.zeros((OUT * SR,), dtype=jnp.float32)
    W3 = jax.random.normal(ks[3], (OUT, OUT), dtype=jnp.float32) * (1.0 / np.sqrt(OUT))
    b3 = jnp.zeros((OUT,), dtype=jnp.float32)
    return {"x": x, "W1": W1, "b1": b1, "W2": W2, "b2": b2, "W3": W3, "b3": b3}

def _knn(x, k):
    # x: [B, C, N]
    inner = -2.0 * jnp.einsum('bcn,bcm->bnm', x, x)
    xx = jnp.sum(x ** 2, axis=1, keepdims=True)  # [B, 1, N]
    pairwise = -xx - inner - jnp.transpose(xx, (0, 2, 1))  # [B, N, N]
    _, idx = jax.lax.top_k(pairwise, k)  # [B, N, k]
    return idx

def _get_graph_feature(x, k):
    # minus_center=False variant
    idx = _knn(x, k)                      # [B, N, k]
    xt = jnp.transpose(x, (0, 2, 1))      # [B, N, C]
    feature = jax.vmap(lambda xb, ib: xb[ib])(xt, idx)  # [B, N, k, C] gather
    x_exp = jnp.broadcast_to(xt[:, :, None, :], feature.shape)
    feat = jnp.concatenate([x_exp, feature], axis=3)    # [B, N, k, 2C]
    return jnp.transpose(feat, (0, 3, 1, 2))            # [B, 2C, N, k]

def _conv1x1(x, W, b):
    return jnp.einsum('oc,bckn->bokn', W, x) + b[None, :, None, None]

def reference(x, W1, b1, W2, b2, W3, b3):
    b_sz, c, n = x.shape
    ief = jnp.transpose(_get_graph_feature(x, K), (0, 1, 3, 2))  # [B, 2C, k, N]
    e = _conv1x1(ief, W1, b1)
    e = jax.nn.relu(jnp.concatenate([e, ief], axis=1))
    e = jax.nn.relu(_conv1x1(e, W2, b2))                          # [B, OUT*SR, k, N]
    e = jnp.transpose(e, (0, 2, 3, 1)).reshape(b_sz, K, n * SR, OUT)
    e = jnp.transpose(e, (0, 3, 1, 2))                            # [B, OUT, k, N*SR]
    e = _conv1x1(e, W3, b3)
    return jnp.max(e, axis=2)                                     # [B, OUT, N*SR]

if __name__ == "__main__":
    import jax
    _d = setup_inputs()
    print(jax.jit(kernel)(*tuple(_d.values())))

</pallas_src>

<mosaic_0001>
#map = affine_map<(d0, d1) -> (0, 0)>
#map1 = affine_map<(d0, d1) -> (0)>
module attributes {stable_mosaic.version = 14 : i64} {
  func.func @sc_gather(%arg0: i32, %arg1: i32, %arg2: memref<8192x128xf32, #tpu.memory_space<hbm>>, %arg3: memref<32768xi32, #tpu.memory_space<hbm>>, %arg4: memref<32768x128xf32, #tpu.memory_space<hbm>>, %arg5: memref<1024xi32, #tpu.memory_space<vmem>>, %arg6: memref<512x128xf32, #tpu.memory_space<vmem>>, %arg7: memref<!tpu.dma_semaphore, #tpu.memory_space<semaphore_mem>>) attributes {dimension_semantics = [#tpu.dimension_semantics<core_parallel>, #tpu.dimension_semantics<subcore_parallel>], iteration_bounds = array<i64: 2, 16>, scalar_prefetch = 0 : i64, scratch_operands = 3 : i64, tpu.core_type = #tpu.core_type<sc_vector_subcore>, window_params = [{transform_indices = #map}, {transform_indices = #map1}, {transform_indices = #map}]} {
    %mul3A = arith.constant 2 : i32
    %mul3A_0 = arith.muli %arg1, %mul3A : i32
    %add3A = arith.addi %mul3A_0, %arg0 : i32
    %mul3A_1 = arith.constant 1024 : i32
    %mul3A_2 = arith.muli %add3A, %mul3A_1 : i32
    "tpu.region"() ({
      %run_scoped3A = tpu.sem_alloc : memref<!tpu.dma_semaphore, #tpu.memory_space<semaphore_mem>>
      %dma_start3A_25 = tpu.memref_slice %arg3[%mul3A_2] : memref<32768xi32, #tpu.memory_space<hbm>> -> memref<1024xi32, #tpu.memory_space<hbm>>
      %dma_start3A_26 = tpu.memref_slice %arg3[%mul3A_2] : memref<32768xi32, #tpu.memory_space<hbm>> -> memref<1024xi32, #tpu.memory_space<hbm>>
      tpu.enqueue_dma source(%dma_start3A_26 : memref<1024xi32, #tpu.memory_space<hbm>>) target(%arg5 : memref<1024xi32, #tpu.memory_space<vmem>>) target_semaphore(%run_scoped3A : memref<!tpu.dma_semaphore, #tpu.memory_space<semaphore_mem>>)
      %dma_wait3A_27 = tpu.memref_slice %arg3[%mul3A_2] : memref<32768xi32, #tpu.memory_space<hbm>> -> memref<1024xi32, #tpu.memory_space<hbm>>
      %dma_wait3A_28 = tpu.memref_slice %arg3[%mul3A_2] : memref<32768xi32, #tpu.memory_space<hbm>> -> memref<1024xi32, #tpu.memory_space<hbm>>
      tpu.wait_dma2 semaphore(%run_scoped3A : memref<!tpu.dma_semaphore, #tpu.memory_space<semaphore_mem>>) src(%dma_wait3A_28 : memref<1024xi32, #tpu.memory_space<hbm>>) dst(%arg5 : memref<1024xi32, #tpu.memory_space<vmem>>)
      tpu.yield
    }) : () -> ()
    %dma_start3A = arith.constant 0 : i32
    %dma_start3A_3 = tpu.memref_slice %arg5[%dma_start3A] : memref<1024xi32, #tpu.memory_space<vmem>> -> memref<512xi32, #tpu.memory_space<vmem>>
    %dma_start3A_4 = arith.constant 0 : i32
    %dma_start3A_5 = arith.constant 0 : i32
    %dma_start3A_6 = tpu.memref_slice %arg2[%dma_start3A_4, %dma_start3A_5] : memref<8192x128xf32, #tpu.memory_space<hbm>> -> memref<8192x128xf32, #tpu.memory_space<hbm>>
    tpu.enqueue_indirect_dma source(%dma_start3A_6 : memref<8192x128xf32, #tpu.memory_space<hbm>>) target(%arg6 : memref<512x128xf32, #tpu.memory_space<vmem>>) offsets(%dma_start3A_3 : memref<512xi32, #tpu.memory_space<vmem>>) semaphore(%arg7 : memref<!tpu.dma_semaphore, #tpu.memory_space<semaphore_mem>>)
    %dma_wait3A = arith.constant 0 : i32
    %dma_wait3A_7 = tpu.memref_slice %arg5[%dma_wait3A] : memref<1024xi32, #tpu.memory_space<vmem>> -> memref<512xi32, #tpu.memory_space<vmem>>
    %dma_wait3A_8 = arith.constant 0 : i32
    %dma_wait3A_9 = arith.constant 0 : i32
    %dma_wait3A_10 = tpu.memref_slice %arg2[%dma_wait3A_8, %dma_wait3A_9] : memref<8192x128xf32, #tpu.memory_space<hbm>> -> memref<8192x128xf32, #tpu.memory_space<hbm>>
    tpu.wait_indirect_dma semaphore(%arg7 : memref<!tpu.dma_semaphore, #tpu.memory_space<semaphore_mem>>) src(%dma_wait3A_10 : memref<8192x128xf32, #tpu.memory_space<hbm>>) dst(%arg6 : memref<512x128xf32, #tpu.memory_space<vmem>>)
    %add3A_11 = arith.constant 0 : i32
    %add3A_12 = arith.addi %mul3A_2, %add3A_11 : i32
    "tpu.region"() ({
      %run_scoped3A = tpu.sem_alloc : memref<!tpu.dma_semaphore, #tpu.memory_space<semaphore_mem>>
      %dma_start3A_25 = arith.constant 0 : i32
      %dma_start3A_26 = tpu.memref_slice %arg4[%add3A_12, %dma_start3A_25] : memref<32768x128xf32, #tpu.memory_space<hbm>> -> memref<512x128xf32, #tpu.memory_space<hbm>>
      %dma_start3A_27 = arith.constant 0 : i32
      %dma_start3A_28 = tpu.memref_slice %arg4[%add3A_12, %dma_start3A_27] : memref<32768x128xf32, #tpu.memory_space<hbm>> -> memref<512x128xf32, #tpu.memory_space<hbm>>
      tpu.enqueue_dma source(%arg6 : memref<512x128xf32, #tpu.memory_space<vmem>>) target(%dma_start3A_28 : memref<512x128xf32, #tpu.memory_space<hbm>>) target_semaphore(%run_scoped3A : memref<!tpu.dma_semaphore, #tpu.memory_space<semaphore_mem>>)
      %dma_wait3A_29 = arith.constant 0 : i32
      %dma_wait3A_30 = tpu.memref_slice %arg4[%add3A_12, %dma_wait3A_29] : memref<32768x128xf32, #tpu.memory_space<hbm>> -> memref<512x128xf32, #tpu.memory_space<hbm>>
      %dma_wait3A_31 = arith.constant 0 : i32
      %dma_wait3A_32 = tpu.memref_slice %arg4[%add3A_12, %dma_wait3A_31] : memref<32768x128xf32, #tpu.memory_space<hbm>> -> memref<512x128xf32, #tpu.memory_space<hbm>>
      tpu.wait_dma2 semaphore(%run_scoped3A : memref<!tpu.dma_semaphore, #tpu.memory_space<semaphore_mem>>) src(%arg6 : memref<512x128xf32, #tpu.memory_space<vmem>>) dst(%dma_wait3A_32 : memref<512x128xf32, #tpu.memory_space<hbm>>)
      tpu.yield
    }) : () -> ()
    %dma_start3A_13 = arith.constant 512 : i32
    %dma_start3A_14 = tpu.memref_slice %arg5[%dma_start3A_13] : memref<1024xi32, #tpu.memory_space<vmem>> -> memref<512xi32, #tpu.memory_space<vmem>>
    %dma_start3A_15 = arith.constant 0 : i32
    %dma_start3A_16 = arith.constant 0 : i32
    %dma_start3A_17 = tpu.memref_slice %arg2[%dma_start3A_15, %dma_start3A_16] : memref<8192x128xf32, #tpu.memory_space<hbm>> -> memref<8192x128xf32, #tpu.memory_space<hbm>>
    tpu.enqueue_indirect_dma source(%dma_start3A_17 : memref<8192x128xf32, #tpu.memory_space<hbm>>) target(%arg6 : memref<512x128xf32, #tpu.memory_space<vmem>>) offsets(%dma_start3A_14 : memref<512xi32, #tpu.memory_space<vmem>>) semaphore(%arg7 : memref<!tpu.dma_semaphore, #tpu.memory_space<semaphore_mem>>)
    %dma_wait3A_18 = arith.constant 512 : i32
    %dma_wait3A_19 = tpu.memref_slice %arg5[%dma_wait3A_18] : memref<1024xi32, #tpu.memory_space<vmem>> -> memref<512xi32, #tpu.memory_space<vmem>>
    %dma_wait3A_20 = arith.constant 0 : i32
    %dma_wait3A_21 = arith.constant 0 : i32
    %dma_wait3A_22 = tpu.memref_slice %arg2[%dma_wait3A_20, %dma_wait3A_21] : memref<8192x128xf32, #tpu.memory_space<hbm>> -> memref<8192x128xf32, #tpu.memory_space<hbm>>
    tpu.wait_indirect_dma semaphore(%arg7 : memref<!tpu.dma_semaphore, #tpu.memory_space<semaphore_mem>>) src(%dma_wait3A_22 : memref<8192x128xf32, #tpu.memory_space<hbm>>) dst(%arg6 : memref<512x128xf32, #tpu.memory_space<vmem>>)
    %add3A_23 = arith.constant 512 : i32
    %add3A_24 = arith.addi %mul3A_2, %add3A_23 : i32
    "tpu.region"() ({
      %run_scoped3A = tpu.sem_alloc : memref<!tpu.dma_semaphore, #tpu.memory_space<semaphore_mem>>
      %dma_start3A_25 = arith.constant 0 : i32
      %dma_start3A_26 = tpu.memref_slice %arg4[%add3A_24, %dma_start3A_25] : memref<32768x128xf32, #tpu.memory_space<hbm>> -> memref<512x128xf32, #tpu.memory_space<hbm>>
      %dma_start3A_27 = arith.constant 0 : i32
      %dma_start3A_28 = tpu.memref_slice %arg4[%add3A_24, %dma_start3A_27] : memref<32768x128xf32, #tpu.memory_space<hbm>> -> memref<512x128xf32, #tpu.memory_space<hbm>>
      tpu.enqueue_dma source(%arg6 : memref<512x128xf32, #tpu.memory_space<vmem>>) target(%dma_start3A_28 : memref<512x128xf32, #tpu.memory_space<hbm>>) target_semaphore(%run_scoped3A : memref<!tpu.dma_semaphore, #tpu.memory_space<semaphore_mem>>)
      %dma_wait3A_29 = arith.constant 0 : i32
      %dma_wait3A_30 = tpu.memref_slice %arg4[%add3A_24, %dma_wait3A_29] : memref<32768x128xf32, #tpu.memory_space<hbm>> -> memref<512x128xf32, #tpu.memory_space<hbm>>
      %dma_wait3A_31 = arith.constant 0 : i32
      %dma_wait3A_32 = tpu.memref_slice %arg4[%add3A_24, %dma_wait3A_31] : memref<32768x128xf32, #tpu.memory_space<hbm>> -> memref<512x128xf32, #tpu.memory_space<hbm>>
      tpu.wait_dma2 semaphore(%run_scoped3A : memref<!tpu.dma_semaphore, #tpu.memory_space<semaphore_mem>>) src(%arg6 : memref<512x128xf32, #tpu.memory_space<vmem>>) dst(%dma_wait3A_32 : memref<512x128xf32, #tpu.memory_space<hbm>>)
      tpu.yield
    }) : () -> ()
    return
  }
}

#map = affine_map<(d0, d1) -> (0, 0)>
#map1 = affine_map<(d0, d1) -> (0)>
module attributes {stable_mosaic.version = 14 : i64} {
  func.func @sc_gather(%arg0: i32, %arg1: i32, %arg2: memref<8192x128xf32, #tpu.memory_space<hbm>>, %arg3: memref<32768xi32, #tpu.memory_space<hbm>>, %arg4: memref<32768x128xf32, #tpu.memory_space<hbm>>, %arg5: memref<1024xi32, #tpu.memory_space<vmem>>, %arg6: memref<512x128xf32, #tpu.memory_space<vmem>>, %arg7: memref<!tpu.dma_semaphore, #tpu.memory_space<semaphore_mem>>) attributes {dimension_semantics = [#tpu.dimension_semantics<core_parallel>, #tpu.dimension_semantics<subcore_parallel>], iteration_bounds = array<i64: 2, 16>, scalar_prefetch = 0 : i64, scratch_operands = 3 : i64, tpu.core_type = #tpu.core_type<sc_vector_subcore>, window_params = [{transform_indices = #map}, {transform_indices = #map1}, {transform_indices = #map}]} {
    %mul3A = arith.constant 2 : i32
    %mul3A_0 = arith.muli %arg1, %mul3A : i32
    %add3A = arith.addi %mul3A_0, %arg0 : i32
    %mul3A_1 = arith.constant 1024 : i32
    %mul3A_2 = arith.muli %add3A, %mul3A_1 : i32
    "tpu.region"() ({
      %run_scoped3A = tpu.sem_alloc : memref<!tpu.dma_semaphore, #tpu.memory_space<semaphore_mem>>
      %dma_start3A_25 = tpu.memref_slice %arg3[%mul3A_2] : memref<32768xi32, #tpu.memory_space<hbm>> -> memref<1024xi32, #tpu.memory_space<hbm>>
      %dma_start3A_26 = tpu.memref_slice %arg3[%mul3A_2] : memref<32768xi32, #tpu.memory_space<hbm>> -> memref<1024xi32, #tpu.memory_space<hbm>>
      tpu.enqueue_dma source(%dma_start3A_26 : memref<1024xi32, #tpu.memory_space<hbm>>) target(%arg5 : memref<1024xi32, #tpu.memory_space<vmem>>) target_semaphore(%run_scoped3A : memref<!tpu.dma_semaphore, #tpu.memory_space<semaphore_mem>>)
      %dma_wait3A_27 = tpu.memref_slice %arg3[%mul3A_2] : memref<32768xi32, #tpu.memory_space<hbm>> -> memref<1024xi32, #tpu.memory_space<hbm>>
      %dma_wait3A_28 = tpu.memref_slice %arg3[%mul3A_2] : memref<32768xi32, #tpu.memory_space<hbm>> -> memref<1024xi32, #tpu.memory_space<hbm>>
      tpu.wait_dma2 semaphore(%run_scoped3A : memref<!tpu.dma_semaphore, #tpu.memory_space<semaphore_mem>>) src(%dma_wait3A_28 : memref<1024xi32, #tpu.memory_space<hbm>>) dst(%arg5 : memref<1024xi32, #tpu.memory_space<vmem>>)
      tpu.yield
    }) : () -> ()
    %dma_start3A = arith.constant 0 : i32
    %dma_start3A_3 = tpu.memref_slice %arg5[%dma_start3A] : memref<1024xi32, #tpu.memory_space<vmem>> -> memref<512xi32, #tpu.memory_space<vmem>>
    %dma_start3A_4 = arith.constant 0 : i32
    %dma_start3A_5 = arith.constant 0 : i32
    %dma_start3A_6 = tpu.memref_slice %arg2[%dma_start3A_4, %dma_start3A_5] : memref<8192x128xf32, #tpu.memory_space<hbm>> -> memref<8192x128xf32, #tpu.memory_space<hbm>>
    tpu.enqueue_indirect_dma source(%dma_start3A_6 : memref<8192x128xf32, #tpu.memory_space<hbm>>) target(%arg6 : memref<512x128xf32, #tpu.memory_space<vmem>>) offsets(%dma_start3A_3 : memref<512xi32, #tpu.memory_space<vmem>>) semaphore(%arg7 : memref<!tpu.dma_semaphore, #tpu.memory_space<semaphore_mem>>)
    %dma_wait3A = arith.constant 0 : i32
    %dma_wait3A_7 = tpu.memref_slice %arg5[%dma_wait3A] : memref<1024xi32, #tpu.memory_space<vmem>> -> memref<512xi32, #tpu.memory_space<vmem>>
    %dma_wait3A_8 = arith.constant 0 : i32
    %dma_wait3A_9 = arith.constant 0 : i32
    %dma_wait3A_10 = tpu.memref_slice %arg2[%dma_wait3A_8, %dma_wait3A_9] : memref<8192x128xf32, #tpu.memory_space<hbm>> -> memref<8192x128xf32, #tpu.memory_space<hbm>>
    tpu.wait_indirect_dma semaphore(%arg7 : memref<!tpu.dma_semaphore, #tpu.memory_space<semaphore_mem>>) src(%dma_wait3A_10 : memref<8192x128xf32, #tpu.memory_space<hbm>>) dst(%arg6 : memref<512x128xf32, #tpu.memory_space<vmem>>)
    %add3A_11 = arith.constant 0 : i32
    %add3A_12 = arith.addi %mul3A_2, %add3A_11 : i32
    "tpu.region"() ({
      %run_scoped3A = tpu.sem_alloc : memref<!tpu.dma_semaphore, #tpu.memory_space<semaphore_mem>>
      %dma_start3A_25 = arith.constant 0 : i32
      %dma_start3A_26 = tpu.memref_slice %arg4[%add3A_12, %dma_start3A_25] : memref<32768x128xf32, #tpu.memory_space<hbm>> -> memref<512x128xf32, #tpu.memory_space<hbm>>
      %dma_start3A_27 = arith.constant 0 : i32
      %dma_start3A_28 = tpu.memref_slice %arg4[%add3A_12, %dma_start3A_27] : memref<32768x128xf32, #tpu.memory_space<hbm>> -> memref<512x128xf32, #tpu.memory_space<hbm>>
      tpu.enqueue_dma source(%arg6 : memref<512x128xf32, #tpu.memory_space<vmem>>) target(%dma_start3A_28 : memref<512x128xf32, #tpu.memory_space<hbm>>) target_semaphore(%run_scoped3A : memref<!tpu.dma_semaphore, #tpu.memory_space<semaphore_mem>>)
      %dma_wait3A_29 = arith.constant 0 : i32
      %dma_wait3A_30 = tpu.memref_slice %arg4[%add3A_12, %dma_wait3A_29] : memref<32768x128xf32, #tpu.memory_space<hbm>> -> memref<512x128xf32, #tpu.memory_space<hbm>>
      %dma_wait3A_31 = arith.constant 0 : i32
      %dma_wait3A_32 = tpu.memref_slice %arg4[%add3A_12, %dma_wait3A_31] : memref<32768x128xf32, #tpu.memory_space<hbm>> -> memref<512x128xf32, #tpu.memory_space<hbm>>
      tpu.wait_dma2 semaphore(%run_scoped3A : memref<!tpu.dma_semaphore, #tpu.memory_space<semaphore_mem>>) src(%arg6 : memref<512x128xf32, #tpu.memory_space<vmem>>) dst(%dma_wait3A_32 : memref<512x128xf32, #tpu.memory_space<hbm>>)
      tpu.yield
    }) : () -> ()
    %dma_start3A_13 = arith.constant 512 : i32
    %dma_start3A_14 = tpu.memref_slice %arg5[%dma_start3A_13] : memref<1024xi32, #tpu.memory_space<vmem>> -> memref<512xi32, #tpu.memory_space<vmem>>
    %dma_start3A_15 = arith.constant 0 : i32
    %dma_start3A_16 = arith.constant 0 : i32
    %dma_start3A_17 = tpu.memref_slice %arg2[%dma_start3A_15, %dma_start3A_16] : memref<8192x128xf32, #tpu.memory_space<hbm>> -> memref<8192x128xf32, #tpu.memory_space<hbm>>
    tpu.enqueue_indirect_dma source(%dma_start3A_17 : memref<8192x128xf32, #tpu.memory_space<hbm>>) target(%arg6 : memref<512x128xf32, #tpu.memory_space<vmem>>) offsets(%dma_start3A_14 : memref<512xi32, #tpu.memory_space<vmem>>) semaphore(%arg7 : memref<!tpu.dma_semaphore, #tpu.memory_space<semaphore_mem>>)
    %dma_wait3A_18 = arith.constant 512 : i32
    %dma_wait3A_19 = tpu.memref_slice %arg5[%dma_wait3A_18] : memref<1024xi32, #tpu.memory_space<vmem>> -> memref<512xi32, #tpu.memory_space<vmem>>
    %dma_wait3A_20 = arith.constant 0 : i32
    %dma_wait3A_21 = arith.constant 0 : i32
    %dma_wait3A_22 = tpu.memref_slice %arg2[%dma_wait3A_20, %dma_wait3A_21] : memref<8192x128xf32, #tpu.memory_space<hbm>> -> memref<8192x128xf32, #tpu.memory_space<hbm>>
    tpu.wait_indirect_dma semaphore(%arg7 : memref<!tpu.dma_semaphore, #tpu.memory_space<semaphore_mem>>) src(%dma_wait3A_22 : memref<8192x128xf32, #tpu.memory_space<hbm>>) dst(%arg6 : memref<512x128xf32, #tpu.memory_space<vmem>>)
    %add3A_23 = arith.constant 512 : i32
    %add3A_24 = arith.addi %mul3A_2, %add3A_23 : i32
    "tpu.region"() ({
      %run_scoped3A = tpu.sem_alloc : memref<!tpu.dma_semaphore, #tpu.memory_space<semaphore_mem>>
      %dma_start3A_25 = arith.constant 0 : i32
      %dma_start3A_26 = tpu.memref_slice %arg4[%add3A_24, %dma_start3A_25] : memref<32768x128xf32, #tpu.memory_space<hbm>> -> memref<512x128xf32, #tpu.memory_space<hbm>>
      %dma_start3A_27 = arith.constant 0 : i32
      %dma_start3A_28 = tpu.memref_slice %arg4[%add3A_24, %dma_start3A_27] : memref<32768x128xf32, #tpu.memory_space<hbm>> -> memref<512x128xf32, #tpu.memory_space<hbm>>
      tpu.enqueue_dma source(%arg6 : memref<512x128xf32, #tpu.memory_space<vmem>>) target(%dma_start3A_28 : memref<512x128xf32, #tpu.memory_space<hbm>>) target_semaphore(%run_scoped3A : memref<!tpu.dma_semaphore, #tpu.memory_space<semaphore_mem>>)
      %dma_wait3A_29 = arith.constant 0 : i32
      %dma_wait3A_30 = tpu.memref_slice %arg4[%add3A_24, %dma_wait3A_29] : memref<32768x128xf32, #tpu.memory_space<hbm>> -> memref<512x128xf32, #tpu.memory_space<hbm>>
      %dma_wait3A_31 = arith.constant 0 : i32
      %dma_wait3A_32 = tpu.memref_slice %arg4[%add3A_24, %dma_wait3A_31] : memref<32768x128xf32, #tpu.memory_space<hbm>> -> memref<512x128xf32, #tpu.memory_space<hbm>>
      tpu.wait_dma2 semaphore(%run_scoped3A : memref<!tpu.dma_semaphore, #tpu.memory_space<semaphore_mem>>) src(%arg6 : memref<512x128xf32, #tpu.memory_space<vmem>>) dst(%dma_wait3A_32 : memref<512x128xf32, #tpu.memory_space<hbm>>)
      tpu.yield
    }) : () -> ()
    return
  }
}

module attributes {stable_mosaic.version = 14 : i64} {
  func.func @_tc1_body(%arg0: i32, %arg1: i32, %arg2: memref<1x32x2048xf32, #tpu.memory_space<vmem>>, %arg3: memref<1x32x1024xf32, #tpu.memory_space<vmem>>, %arg4: memref<1x8x1024xi32, #tpu.memory_space<vmem>>, %arg5: memref<1x1024x128xf32, #tpu.memory_space<vmem>>) attributes {dimension_semantics = [#tpu.dimension_semantics<parallel>, #tpu.dimension_semantics<parallel>], iteration_bounds = array<i64: 4, 2>, scalar_prefetch = 0 : i64, scratch_operands = 0 : i64, tpu.core_type = #tpu.core_type<tc>, window_params = [{transform_indices = @transform_0, window_bounds = array<i64: 1, 32, 2048>}, {transform_indices = @transform_1, window_bounds = array<i64: 1, 32, 1024>}, {transform_indices = @transform_2, window_bounds = array<i64: 1, 8, 1024>}, {transform_indices = @transform_3, window_bounds = array<i64: 1, 1024, 128>}]} {
    %get3A = arith.constant 0 : index
    %get3A_0 = arith.constant 0 : index
    %get3A_1 = arith.constant 0 : index
    %get3A_2 = vector.load %arg2[%get3A, %get3A_0, %get3A_1] : memref<1x32x2048xf32, #tpu.memory_space<vmem>>, vector<1x32x2048xf32>
    %get3A_3 = vector.shape_cast %get3A_2 : vector<1x32x2048xf32> to vector<32x2048xf32>
    %get3A_4 = arith.constant 0 : index
    %get3A_5 = arith.constant 0 : index
    %get3A_6 = arith.constant 0 : index
    %get3A_7 = vector.load %arg3[%get3A_4, %get3A_5, %get3A_6] : memref<1x32x1024xf32, #tpu.memory_space<vmem>>, vector<1x32x1024xf32>
    %get3A_8 = vector.shape_cast %get3A_7 : vector<1x32x1024xf32> to vector<32x1024xf32>
    %mul3A = arith.mulf %get3A_3, %get3A_3 : vector<32x2048xf32>
    %reduce_sum3A = arith.constant dense<0.000000e+00> : vector<2048xf32>
    %reduce_sum3A_9 = vector.multi_reduction <add>, %mul3A, %reduce_sum3A [0] : vector<32x2048xf32> to vector<2048xf32>
    %broadcast_in_dim3A = vector.shape_cast %reduce_sum3A_9 : vector<2048xf32> to vector<1x2048xf32>
    %mul3A_10 = arith.mulf %get3A_8, %get3A_8 : vector<32x1024xf32>
    %reduce_sum3A_11 = arith.constant dense<0.000000e+00> : vector<1024xf32>
    %reduce_sum3A_12 = vector.multi_reduction <add>, %mul3A_10, %reduce_sum3A_11 [0] : vector<32x1024xf32> to vector<1024xf32>
    %broadcast_in_dim3A_13 = vector.shape_cast %reduce_sum3A_12 : vector<1024xf32> to vector<1024x1xf32>
    %dot_general3A = arith.constant dense<0.000000e+00> : vector<1024x2048xf32>
    %dot_general3A_14 = tpu.matmul %get3A_8, %get3A_3, %dot_general3A {dimension_numbers = #tpu.dot_dimension_numbers<[0], [0], [1], [1], [0, 1, 1, 1], [], []>, transpose_lhs_hint = false} : vector<32x1024xf32>, vector<32x2048xf32>, vector<1024x2048xf32> -> vector<1024x2048xf32>
    %mul3A_15 = arith.constant -2.000000e+00 : f32
    %mul3A_16 = vector.broadcast %mul3A_15 : f32 to vector<1024x2048xf32>
    %mul3A_17 = arith.mulf %mul3A_16, %dot_general3A_14 : vector<1024x2048xf32>
    %neg3A = arith.constant 0.000000e+00 : f32
    %neg3A_18 = vector.broadcast %neg3A : f32 to vector<1x2048xf32>
    %neg3A_19 = arith.subf %neg3A_18, %broadcast_in_dim3A : vector<1x2048xf32>
    %sub3A = vector.broadcast %neg3A_19 : vector<1x2048xf32> to vector<1024x2048xf32>
    %sub3A_20 = arith.subf %sub3A, %mul3A_17 : vector<1024x2048xf32>
    %sub3A_21 = vector.broadcast %broadcast_in_dim3A_13 : vector<1024x1xf32> to vector<1024x2048xf32>
    %sub3A_22 = arith.subf %sub3A_20, %sub3A_21 : vector<1024x2048xf32>
    %iota3A = tpu.iota {dimensions = array<i32: 1>} : vector<1024x2048xi32>
    %mul3A_23 = arith.constant 2048 : i32
    %mul3A_24 = arith.muli %arg0, %mul3A_23 : i32
    %argmax3A = tpu.reduce_index %sub3A_22 {axis = 1 : i32, kind = #tpu.reduction_kind<arg_max>} : vector<1024x2048xf32> -> vector<1024xi32>
    %broadcast_in_dim3A_25 = vector.shape_cast %argmax3A : vector<1024xi32> to vector<1024x1xi32>
    %eq3A = vector.broadcast %broadcast_in_dim3A_25 : vector<1024x1xi32> to vector<1024x2048xi32>
    %eq3A_26 = arith.cmpi eq, %iota3A, %eq3A : vector<1024x2048xi32>
    %jit3A = arith.constant 0xFF800000 : f32
    %broadcast_in_dim3A_27 = vector.broadcast %jit3A : f32 to vector<1024x2048xf32>
    %select_n3A = arith.select %eq3A_26, %broadcast_in_dim3A_27, %sub3A_22 : vector<1024x2048xi1>, vector<1024x2048xf32>
    %add3A = vector.broadcast %mul3A_24 : i32 to vector<1024x1xi32>
    %add3A_28 = arith.addi %broadcast_in_dim3A_25, %add3A : vector<1024x1xi32>
    %argmax3A_29 = tpu.reduce_index %select_n3A {axis = 1 : i32, kind = #tpu.reduction_kind<arg_max>} : vector<1024x2048xf32> -> vector<1024xi32>
    %broadcast_in_dim3A_30 = vector.shape_cast %argmax3A_29 : vector<1024xi32> to vector<1024x1xi32>
    %eq3A_31 = vector.broadcast %broadcast_in_dim3A_30 : vector<1024x1xi32> to vector<1024x2048xi32>
    %eq3A_32 = arith.cmpi eq, %iota3A, %eq3A_31 : vector<1024x2048xi32>
    %jit3A_33 = arith.constant 0xFF800000 : f32
    %broadcast_in_dim3A_34 = vector.broadcast %jit3A_33 : f32 to vector<1024x2048xf32>
    %select_n3A_35 = arith.select %eq3A_32, %broadcast_in_dim3A_34, %select_n3A : vector<1024x2048xi1>, vector<1024x2048xf32>
    %add3A_36 = vector.broadcast %mul3A_24 : i32 to vector<1024x1xi32>
    %add3A_37 = arith.addi %broadcast_in_dim3A_30, %add3A_36 : vector<1024x1xi32>
    %argmax3A_38 = tpu.reduce_index %select_n3A_35 {axis = 1 : i32, kind = #tpu.reduction_kind<arg_max>} : vector<1024x2048xf32> -> vector<1024xi32>
    %broadcast_in_dim3A_39 = vector.shape_cast %argmax3A_38 : vector<1024xi32> to vector<1024x1xi32>
    %eq3A_40 = vector.broadcast %broadcast_in_dim3A_39 : vector<1024x1xi32> to vector<1024x2048xi32>
    %eq3A_41 = arith.cmpi eq, %iota3A, %eq3A_40 : vector<1024x2048xi32>
    %jit3A_42 = arith.constant 0xFF800000 : f32
    %broadcast_in_dim3A_43 = vector.broadcast %jit3A_42 : f32 to vector<1024x2048xf32>
    %select_n3A_44 = arith.select %eq3A_41, %broadcast_in_dim3A_43, %select_n3A_35 : vector<1024x2048xi1>, vector<1024x2048xf32>
    %add3A_45 = vector.broadcast %mul3A_24 : i32 to vector<1024x1xi32>
    %add3A_46 = arith.addi %broadcast_in_dim3A_39, %add3A_45 : vector<1024x1xi32>
    %argmax3A_47 = tpu.reduce_index %select_n3A_44 {axis = 1 : i32, kind = #tpu.reduction_kind<arg_max>} : vector<1024x2048xf32> -> vector<1024xi32>
    %broadcast_in_dim3A_48 = vector.shape_cast %argmax3A_47 : vector<1024xi32> to vector<1024x1xi32>
    %add3A_49 = vector.broadcast %mul3A_24 : i32 to vector<1024x1xi32>
    %add3A_50 = arith.addi %broadcast_in_dim3A_48, %add3A_49 : vector<1024x1xi32>
    %concatenate3A = tpu.concatenate %add3A_28, %add3A_37, %add3A_46, %add3A_50, %add3A_28, %add3A_37, %add3A_46, %add3A_50 in 1 : vector<1024x1xi32>, vector<1024x1xi32>, vector<1024x1xi32>, vector<1024x1xi32>, vector<1024x1xi32>, vector<1024x1xi32>, vector<1024x1xi32>, vector<1024x1xi32> -> vector<1024x8xi32>
    %transpose3A = tpu.transpose %concatenate3A, [1, 0] : vector<1024x8xi32> -> vector<8x1024xi32>
    %swap3A = arith.constant 0 : index
    %swap3A_51 = arith.constant 0 : index
    %swap3A_52 = arith.constant 0 : index
    %swap3A_53 = vector.load %arg4[%swap3A, %swap3A_51, %swap3A_52] : memref<1x8x1024xi32, #tpu.memory_space<vmem>>, vector<1x8x1024xi32>
    %swap3A_54 = vector.shape_cast %swap3A_53 : vector<1x8x1024xi32> to vector<8x1024xi32>
    %swap3A_55 = vector.shape_cast %transpose3A : vector<8x1024xi32> to vector<1x8x1024xi32>
    tpu.vector_store %arg4[%swap3A, %swap3A_51, %swap3A_52], %swap3A_55 {strides = array<i32>} : memref<1x8x1024xi32, #tpu.memory_space<vmem>>, vector<1x8x1024xi32>,
    %transpose3A_56 = tpu.transpose %get3A_8, [1, 0] : vector<32x1024xf32> -> vector<1024x32xf32>
    %broadcast_in_dim3A_57 = arith.constant 0.000000e+00 : f32
    %broadcast_in_dim3A_58 = vector.broadcast %broadcast_in_dim3A_57 : f32 to vector<1024x96xf32>
    %concatenate3A_59 = tpu.concatenate %transpose3A_56, %broadcast_in_dim3A_58 in 1 : vector<1024x32xf32>, vector<1024x96xf32> -> vector<1024x128xf32>
    %swap3A_60 = arith.constant 0 : index
    %swap3A_61 = arith.constant 0 : index
    %swap3A_62 = arith.constant 0 : index
    %swap3A_63 = vector.load %arg5[%swap3A_60, %swap3A_61, %swap3A_62] : memref<1x1024x128xf32, #tpu.memory_space<vmem>>, vector<1x1024x128xf32>
    %swap3A_64 = vector.shape_cast %swap3A_63 : vector<1x1024x128xf32> to vector<1024x128xf32>
    %swap3A_65 = vector.shape_cast %concatenate3A_59 : vector<1024x128xf32> to vector<1x1024x128xf32>
    tpu.vector_store %arg5[%swap3A_60, %swap3A_61, %swap3A_62], %swap3A_65 {strides = array<i32>} : memref<1x1024x128xf32, #tpu.memory_space<vmem>>, vector<1x1024x128xf32>,
    return
  }
  func.func @transform_0(%arg0: i32, %arg1: i32) -> (i32, i32, i32) {
    %c0_i32 = arith.constant 0 : i32
    %c0_i32_0 = arith.constant 0 : i32
    %c0_i32_1 = arith.constant 0 : i32
    return %arg0, %c0_i32, %c0_i32_0 : i32, i32, i32
  }
  func.func @transform_1(%arg0: i32, %arg1: i32) -> (i32, i32, i32) {
    %c0_i32 = arith.constant 0 : i32
    %c0_i32_0 = arith.constant 0 : i32
    return %arg0, %c0_i32, %arg1 : i32, i32, i32
  }
  func.func @transform_2(%arg0: i32, %arg1: i32) -> (i32, i32, i32) {
    %c0_i32 = arith.constant 0 : i32
    %c0_i32_0 = arith.constant 0 : i32
    return %arg0, %c0_i32, %arg1 : i32, i32, i32
  }
  func.func @transform_3(%arg0: i32, %arg1: i32) -> (i32, i32, i32) {
    %c0_i32 = arith.constant 0 : i32
    %c0_i32_0 = arith.constant 0 : i32
    return %arg0, %arg1, %c0_i32 : i32, i32, i32
  }
}

module attributes {stable_mosaic.version = 14 : i64} {
  func.func @_tc2_body(%arg0: i32, %arg1: i32, %arg2: memref<1x1024x128xf32, #tpu.memory_space<vmem>>, %arg3: memref<1x1x1024x128xf32, #tpu.memory_space<vmem>>, %arg4: memref<1x1x1024x128xf32, #tpu.memory_space<vmem>>, %arg5: memref<1x1x1024x128xf32, #tpu.memory_space<vmem>>, %arg6: memref<1x1x1024x128xf32, #tpu.memory_space<vmem>>, %arg7: memref<64x64xf32, #tpu.memory_space<vmem>>, %arg8: memref<1x64xf32, #tpu.memory_space<vmem>>, %arg9: memref<128x128xf32, #tpu.memory_space<vmem>>, %arg10: memref<1x128xf32, #tpu.memory_space<vmem>>, %arg11: memref<128x128xf32, #tpu.memory_space<vmem>>, %arg12: memref<1x128xf32, #tpu.memory_space<vmem>>, %arg13: memref<1x1024x128xf32, #tpu.memory_space<vmem>>) attributes {dimension_semantics = [#tpu.dimension_semantics<parallel>, #tpu.dimension_semantics<parallel>], iteration_bounds = array<i64: 4, 2>, scalar_prefetch = 0 : i64, scratch_operands = 0 : i64, tpu.core_type = #tpu.core_type<tc>, window_params = [{transform_indices = @transform_0, window_bounds = array<i64: 1, 1024, 128>}, {transform_indices = @transform_1, window_bounds = array<i64: 1, 1, 1024, 128>}, {transform_indices = @transform_2, window_bounds = array<i64: 1, 1, 1024, 128>}, {transform_indices = @transform_3, window_bounds = array<i64: 1, 1, 1024, 128>}, {transform_indices = @transform_4, window_bounds = array<i64: 1, 1, 1024, 128>}, {pipeline_mode = #tpu.pipeline_mode<synchronous>, transform_indices = @transform_5, window_bounds = array<i64: 64, 64>}, {pipeline_mode = #tpu.pipeline_mode<synchronous>, transform_indices = @transform_6, window_bounds = array<i64: 1, 64>}, {pipeline_mode = #tpu.pipeline_mode<synchronous>, transform_indices = @transform_7, window_bounds = array<i64: 128, 128>}, {pipeline_mode = #tpu.pipeline_mode<synchronous>, transform_indices = @transform_8, window_bounds = array<i64: 1, 128>}, {pipeline_mode = #tpu.pipeline_mode<synchronous>, transform_indices = @transform_9, window_bounds = array<i64: 128, 128>}, {pipeline_mode = #tpu.pipeline_mode<synchronous>, transform_indices = @transform_10, window_bounds = array<i64: 1, 128>}, {transform_indices = @transform_11, window_bounds = array<i64: 1, 1024, 128>}]} {
    %get3A = arith.constant 0 : index
    %get3A_0 = arith.constant 0 : index
    %get3A_1 = arith.constant 0 : index
    %get3A_2 = vector.load %arg2[%get3A, %get3A_0, %get3A_1] : memref<1x1024x128xf32, #tpu.memory_space<vmem>>, vector<1x1024x128xf32>
    %get3A_3 = vector.shape_cast %get3A_2 : vector<1x1024x128xf32> to vector<1024x128xf32>
    %slice3A = vector.extract_strided_slice %get3A_3 {offsets = [0, 0], sizes = [1024, 32], strides = [1, 1]} : vector<1024x128xf32> to vector<1024x32xf32>
    %get3A_4 = arith.constant 0 : index
    %get3A_5 = arith.constant 0 : index
    %get3A_6 = arith.constant 0 : index
    %get3A_7 = arith.constant 0 : index
    %get3A_8 = vector.load %arg3[%get3A_4, %get3A_5, %get3A_6, %get3A_7] : memref<1x1x1024x128xf32, #tpu.memory_space<vmem>>, vector<1x1x1024x128xf32>
    %get3A_9 = vector.shape_cast %get3A_8 : vector<1x1x1024x128xf32> to vector<1024x128xf32>
    %slice3A_10 = vector.extract_strided_slice %get3A_9 {offsets = [0, 0], sizes = [1024, 32], strides = [1, 1]} : vector<1024x128xf32> to vector<1024x32xf32>
    %concatenate3A = tpu.concatenate %slice3A, %slice3A_10 in 1 : vector<1024x32xf32>, vector<1024x32xf32> -> vector<1024x64xf32>
    %get3A_11 = arith.constant 0 : index
    %get3A_12 = arith.constant 0 : index
    %get3A_13 = vector.load %arg7[%get3A_11, %get3A_12] : memref<64x64xf32, #tpu.memory_space<vmem>>, vector<64x64xf32>
    %dot_general3A = arith.constant dense<0.000000e+00> : vector<1024x64xf32>
    %dot_general3A_14 = tpu.matmul %concatenate3A, %get3A_13, %dot_general3A {dimension_numbers = #tpu.dot_dimension_numbers<[1], [1], [0], [0], [0, 0, 1, 0], [], []>, transpose_lhs_hint = false} : vector<1024x64xf32>, vector<64x64xf32>, vector<1024x64xf32> -> vector<1024x64xf32>
    %get3A_15 = arith.constant 0 : index
    %get3A_16 = arith.constant 0 : index
    %get3A_17 = vector.load %arg8[%get3A_15, %get3A_16] : memref<1x64xf32, #tpu.memory_space<vmem>>, vector<1x64xf32>
    %add3A = vector.broadcast %get3A_17 : vector<1x64xf32> to vector<1024x64xf32>
    %add3A_18 = arith.addf %dot_general3A_14, %add3A : vector<1024x64xf32>
    %concatenate3A_19 = tpu.concatenate %add3A_18, %concatenate3A in 1 : vector<1024x64xf32>, vector<1024x64xf32> -> vector<1024x128xf32>
    %max3A = arith.constant 0.000000e+00 : f32
    %max3A_20 = vector.broadcast %max3A : f32 to vector<1024x128xf32>
    %max3A_21 = arith.maximumf %concatenate3A_19, %max3A_20 : vector<1024x128xf32>
    %get3A_22 = arith.constant 0 : index
    %get3A_23 = arith.constant 0 : index
    %get3A_24 = vector.load %arg9[%get3A_22, %get3A_23] : memref<128x128xf32, #tpu.memory_space<vmem>>, vector<128x128xf32>
    %dot_general3A_25 = arith.constant dense<0.000000e+00> : vector<1024x128xf32>
    %dot_general3A_26 = tpu.matmul %max3A_21, %get3A_24, %dot_general3A_25 {dimension_numbers = #tpu.dot_dimension_numbers<[1], [1], [0], [0], [0, 0, 1, 0], [], []>, transpose_lhs_hint = false} : vector<1024x128xf32>, vector<128x128xf32>, vector<1024x128xf32> -> vector<1024x128xf32>
    %get3A_27 = arith.constant 0 : index
    %get3A_28 = arith.constant 0 : index
    %get3A_29 = vector.load %arg10[%get3A_27, %get3A_28] : memref<1x128xf32, #tpu.memory_space<vmem>>, vector<1x128xf32>
    %add3A_30 = vector.broadcast %get3A_29 : vector<1x128xf32> to vector<1024x128xf32>
    %add3A_31 = arith.addf %dot_general3A_26, %add3A_30 : vector<1024x128xf32>
    %max3A_32 = arith.constant 0.000000e+00 : f32
    %max3A_33 = vector.broadcast %max3A_32 : f32 to vector<1024x128xf32>
    %max3A_34 = arith.maximumf %add3A_31, %max3A_33 : vector<1024x128xf32>
    %get3A_35 = arith.constant 0 : index
    %get3A_36 = arith.constant 0 : index
    %get3A_37 = vector.load %arg11[%get3A_35, %get3A_36] : memref<128x128xf32, #tpu.memory_space<vmem>>, vector<128x128xf32>
    %dot_general3A_38 = arith.constant dense<0.000000e+00> : vector<1024x128xf32>
    %dot_general3A_39 = tpu.matmul %max3A_34, %get3A_37, %dot_general3A_38 {dimension_numbers = #tpu.dot_dimension_numbers<[1], [0], [0], [1], [0, 0, 1, 1], [], []>, transpose_lhs_hint = false} : vector<1024x128xf32>, vector<128x128xf32>, vector<1024x128xf32> -> vector<1024x128xf32>
    %get3A_40 = arith.constant 0 : index
    %get3A_41 = arith.constant 0 : index
    %get3A_42 = vector.load %arg12[%get3A_40, %get3A_41] : memref<1x128xf32, #tpu.memory_space<vmem>>, vector<1x128xf32>
    %add3A_43 = vector.broadcast %get3A_42 : vector<1x128xf32> to vector<1024x128xf32>
    %add3A_44 = arith.addf %dot_general3A_39, %add3A_43 : vector<1024x128xf32>
    %get3A_45 = arith.constant 0 : index
    %get3A_46 = arith.constant 0 : index
    %get3A_47 = arith.constant 0 : index
    %get3A_48 = arith.constant 0 : index
    %get3A_49 = vector.load %arg4[%get3A_45, %get3A_46, %get3A_47, %get3A_48] : memref<1x1x1024x128xf32, #tpu.memory_space<vmem>>, vector<1x1x1024x128xf32>
    %get3A_50 = vector.shape_cast %get3A_49 : vector<1x1x1024x128xf32> to vector<1024x128xf32>
    %slice3A_51 = vector.extract_strided_slice %get3A_50 {offsets = [0, 0], sizes = [1024, 32], strides = [1, 1]} : vector<1024x128xf32> to vector<1024x32xf32>
    %concatenate3A_52 = tpu.concatenate %slice3A, %slice3A_51 in 1 : vector<1024x32xf32>, vector<1024x32xf32> -> vector<1024x64xf32>
    %get3A_53 = arith.constant 0 : index
    %get3A_54 = arith.constant 0 : index
    %get3A_55 = vector.load %arg7[%get3A_53, %get3A_54] : memref<64x64xf32, #tpu.memory_space<vmem>>, vector<64x64xf32>
    %dot_general3A_56 = arith.constant dense<0.000000e+00> : vector<1024x64xf32>
    %dot_general3A_57 = tpu.matmul %concatenate3A_52, %get3A_55, %dot_general3A_56 {dimension_numbers = #tpu.dot_dimension_numbers<[1], [1], [0], [0], [0, 0, 1, 0], [], []>, transpose_lhs_hint = false} : vector<1024x64xf32>, vector<64x64xf32>, vector<1024x64xf32> -> vector<1024x64xf32>
    %get3A_58 = arith.constant 0 : index
    %get3A_59 = arith.constant 0 : index
    %get3A_60 = vector.load %arg8[%get3A_58, %get3A_59] : memref<1x64xf32, #tpu.memory_space<vmem>>, vector<1x64xf32>
    %add3A_61 = vector.broadcast %get3A_60 : vector<1x64xf32> to vector<1024x64xf32>
    %add3A_62 = arith.addf %dot_general3A_57, %add3A_61 : vector<1024x64xf32>
    %concatenate3A_63 = tpu.concatenate %add3A_62, %concatenate3A_52 in 1 : vector<1024x64xf32>, vector<1024x64xf32> -> vector<1024x128xf32>
    %max3A_64 = arith.constant 0.000000e+00 : f32
    %max3A_65 = vector.broadcast %max3A_64 : f32 to vector<1024x128xf32>
    %max3A_66 = arith.maximumf %concatenate3A_63, %max3A_65 : vector<1024x128xf32>
    %get3A_67 = arith.constant 0 : index
    %get3A_68 = arith.constant 0 : index
    %get3A_69 = vector.load %arg9[%get3A_67, %get3A_68] : memref<128x128xf32, #tpu.memory_space<vmem>>, vector<128x128xf32>
    %dot_general3A_70 = arith.constant dense<0.000000e+00> : vector<1024x128xf32>
    %dot_general3A_71 = tpu.matmul %max3A_66, %get3A_69, %dot_general3A_70 {dimension_numbers = #tpu.dot_dimension_numbers<[1], [1], [0], [0], [0, 0, 1, 0], [], []>, transpose_lhs_hint = false} : vector<1024x128xf32>, vector<128x128xf32>, vector<1024x128xf32> -> vector<1024x128xf32>
    %get3A_72 = arith.constant 0 : index
    %get3A_73 = arith.constant 0 : index
    %get3A_74 = vector.load %arg10[%get3A_72, %get3A_73] : memref<1x128xf32, #tpu.memory_space<vmem>>, vector<1x128xf32>
    %add3A_75 = vector.broadcast %get3A_74 : vector<1x128xf32> to vector<1024x128xf32>
    %add3A_76 = arith.addf %dot_general3A_71, %add3A_75 : vector<1024x128xf32>
    %max3A_77 = arith.constant 0.000000e+00 : f32
    %max3A_78 = vector.broadcast %max3A_77 : f32 to vector<1024x128xf32>
    %max3A_79 = arith.maximumf %add3A_76, %max3A_78 : vector<1024x128xf32>
    %get3A_80 = arith.constant 0 : index
    %get3A_81 = arith.constant 0 : index
    %get3A_82 = vector.load %arg11[%get3A_80, %get3A_81] : memref<128x128xf32, #tpu.memory_space<vmem>>, vector<128x128xf32>
    %dot_general3A_83 = arith.constant dense<0.000000e+00> : vector<1024x128xf32>
    %dot_general3A_84 = tpu.matmul %max3A_79, %get3A_82, %dot_general3A_83 {dimension_numbers = #tpu.dot_dimension_numbers<[1], [0], [0], [1], [0, 0, 1, 1], [], []>, transpose_lhs_hint = false} : vector<1024x128xf32>, vector<128x128xf32>, vector<1024x128xf32> -> vector<1024x128xf32>
    %get3A_85 = arith.constant 0 : index
    %get3A_86 = arith.constant 0 : index
    %get3A_87 = vector.load %arg12[%get3A_85, %get3A_86] : memref<1x128xf32, #tpu.memory_space<vmem>>, vector<1x128xf32>
    %add3A_88 = vector.broadcast %get3A_87 : vector<1x128xf32> to vector<1024x128xf32>
    %add3A_89 = arith.addf %dot_general3A_84, %add3A_88 : vector<1024x128xf32>
    %max3A_90 = arith.maximumf %add3A_44, %add3A_89 : vector<1024x128xf32>
    %get3A_91 = arith.constant 0 : index
    %get3A_92 = arith.constant 0 : index
    %get3A_93 = arith.constant 0 : index
    %get3A_94 = arith.constant 0 : index
    %get3A_95 = vector.load %arg5[%get3A_91, %get3A_92, %get3A_93, %get3A_94] : memref<1x1x1024x128xf32, #tpu.memory_space<vmem>>, vector<1x1x1024x128xf32>
    %get3A_96 = vector.shape_cast %get3A_95 : vector<1x1x1024x128xf32> to vector<1024x128xf32>
    %slice3A_97 = vector.extract_strided_slice %get3A_96 {offsets = [0, 0], sizes = [1024, 32], strides = [1, 1]} : vector<1024x128xf32> to vector<1024x32xf32>
    %concatenate3A_98 = tpu.concatenate %slice3A, %slice3A_97 in 1 : vector<1024x32xf32>, vector<1024x32xf32> -> vector<1024x64xf32>
    %get3A_99 = arith.constant 0 : index
    %get3A_100 = arith.constant 0 : index
    %get3A_101 = vector.load %arg7[%get3A_99, %get3A_100] : memref<64x64xf32, #tpu.memory_space<vmem>>, vector<64x64xf32>
    %dot_general3A_102 = arith.constant dense<0.000000e+00> : vector<1024x64xf32>
    %dot_general3A_103 = tpu.matmul %concatenate3A_98, %get3A_101, %dot_general3A_102 {dimension_numbers = #tpu.dot_dimension_numbers<[1], [1], [0], [0], [0, 0, 1, 0], [], []>, transpose_lhs_hint = false} : vector<1024x64xf32>, vector<64x64xf32>, vector<1024x64xf32> -> vector<1024x64xf32>
    %get3A_104 = arith.constant 0 : index
    %get3A_105 = arith.constant 0 : index
    %get3A_106 = vector.load %arg8[%get3A_104, %get3A_105] : memref<1x64xf32, #tpu.memory_space<vmem>>, vector<1x64xf32>
    %add3A_107 = vector.broadcast %get3A_106 : vector<1x64xf32> to vector<1024x64xf32>
    %add3A_108 = arith.addf %dot_general3A_103, %add3A_107 : vector<1024x64xf32>
    %concatenate3A_109 = tpu.concatenate %add3A_108, %concatenate3A_98 in 1 : vector<1024x64xf32>, vector<1024x64xf32> -> vector<1024x128xf32>
    %max3A_110 = arith.constant 0.000000e+00 : f32
    %max3A_111 = vector.broadcast %max3A_110 : f32 to vector<1024x128xf32>
    %max3A_112 = arith.maximumf %concatenate3A_109, %max3A_111 : vector<1024x128xf32>
    %get3A_113 = arith.constant 0 : index
    %get3A_114 = arith.constant 0 : index
    %get3A_115 = vector.load %arg9[%get3A_113, %get3A_114] : memref<128x128xf32, #tpu.memory_space<vmem>>, vector<128x128xf32>
    %dot_general3A_116 = arith.constant dense<0.000000e+00> : vector<1024x128xf32>
    %dot_general3A_117 = tpu.matmul %max3A_112, %get3A_115, %dot_general3A_116 {dimension_numbers = #tpu.dot_dimension_numbers<[1], [1], [0], [0], [0, 0, 1, 0], [], []>, transpose_lhs_hint = false} : vector<1024x128xf32>, vector<128x128xf32>, vector<1024x128xf32> -> vector<1024x128xf32>
    %get3A_118 = arith.constant 0 : index
    %get3A_119 = arith.constant 0 : index
    %get3A_120 = vector.load %arg10[%get3A_118, %get3A_119] : memref<1x128xf32, #tpu.memory_space<vmem>>, vector<1x128xf32>
    %add3A_121 = vector.broadcast %get3A_120 : vector<1x128xf32> to vector<1024x128xf32>
    %add3A_122 = arith.addf %dot_general3A_117, %add3A_121 : vector<1024x128xf32>
    %max3A_123 = arith.constant 0.000000e+00 : f32
    %max3A_124 = vector.broadcast %max3A_123 : f32 to vector<1024x128xf32>
    %max3A_125 = arith.maximumf %add3A_122, %max3A_124 : vector<1024x128xf32>
    %get3A_126 = arith.constant 0 : index
    %get3A_127 = arith.constant 0 : index
    %get3A_128 = vector.load %arg11[%get3A_126, %get3A_127] : memref<128x128xf32, #tpu.memory_space<vmem>>, vector<128x128xf32>
    %dot_general3A_129 = arith.constant dense<0.000000e+00> : vector<1024x128xf32>
    %dot_general3A_130 = tpu.matmul %max3A_125, %get3A_128, %dot_general3A_129 {dimension_numbers = #tpu.dot_dimension_numbers<[1], [0], [0], [1], [0, 0, 1, 1], [], []>, transpose_lhs_hint = false} : vector<1024x128xf32>, vector<128x128xf32>, vector<1024x128xf32> -> vector<1024x128xf32>
    %get3A_131 = arith.constant 0 : index
    %get3A_132 = arith.constant 0 : index
    %get3A_133 = vector.load %arg12[%get3A_131, %get3A_132] : memref<1x128xf32, #tpu.memory_space<vmem>>, vector<1x128xf32>
    %add3A_134 = vector.broadcast %get3A_133 : vector<1x128xf32> to vector<1024x128xf32>
    %add3A_135 = arith.addf %dot_general3A_130, %add3A_134 : vector<1024x128xf32>
    %max3A_136 = arith.maximumf %max3A_90, %add3A_135 : vector<1024x128xf32>
    %get3A_137 = arith.constant 0 : index
    %get3A_138 = arith.constant 0 : index
    %get3A_139 = arith.constant 0 : index
    %get3A_140 = arith.constant 0 : index
    %get3A_141 = vector.load %arg6[%get3A_137, %get3A_138, %get3A_139, %get3A_140] : memref<1x1x1024x128xf32, #tpu.memory_space<vmem>>, vector<1x1x1024x128xf32>
    %get3A_142 = vector.shape_cast %get3A_141 : vector<1x1x1024x128xf32> to vector<1024x128xf32>
    %slice3A_143 = vector.extract_strided_slice %get3A_142 {offsets = [0, 0], sizes = [1024, 32], strides = [1, 1]} : vector<1024x128xf32> to vector<1024x32xf32>
    %concatenate3A_144 = tpu.concatenate %slice3A, %slice3A_143 in 1 : vector<1024x32xf32>, vector<1024x32xf32> -> vector<1024x64xf32>
    %get3A_145 = arith.constant 0 : index
    %get3A_146 = arith.constant 0 : index
    %get3A_147 = vector.load %arg7[%get3A_145, %get3A_146] : memref<64x64xf32, #tpu.memory_space<vmem>>, vector<64x64xf32>
    %dot_general3A_148 = arith.constant dense<0.000000e+00> : vector<1024x64xf32>
    %dot_general3A_149 = tpu.matmul %concatenate3A_144, %get3A_147, %dot_general3A_148 {dimension_numbers = #tpu.dot_dimension_numbers<[1], [1], [0], [0], [0, 0, 1, 0], [], []>, transpose_lhs_hint = false} : vector<1024x64xf32>, vector<64x64xf32>, vector<1024x64xf32> -> vector<1024x64xf32>
    %get3A_150 = arith.constant 0 : index
    %get3A_151 = arith.constant 0 : index
    %get3A_152 = vector.load %arg8[%get3A_150, %get3A_151] : memref<1x64xf32, #tpu.memory_space<vmem>>, vector<1x64xf32>
    %add3A_153 = vector.broadcast %get3A_152 : vector<1x64xf32> to vector<1024x64xf32>
    %add3A_154 = arith.addf %dot_general3A_149, %add3A_153 : vector<1024x64xf32>
    %concatenate3A_155 = tpu.concatenate %add3A_154, %concatenate3A_144 in 1 : vector<1024x64xf32>, vector<1024x64xf32> -> vector<1024x128xf32>
    %max3A_156 = arith.constant 0.000000e+00 : f32
    %max3A_157 = vector.broadcast %max3A_156 : f32 to vector<1024x128xf32>
    %max3A_158 = arith.maximumf %concatenate3A_155, %max3A_157 : vector<1024x128xf32>
    %get3A_159 = arith.constant 0 : index
    %get3A_160 = arith.constant 0 : index
    %get3A_161 = vector.load %arg9[%get3A_159, %get3A_160] : memref<128x128xf32, #tpu.memory_space<vmem>>, vector<128x128xf32>
    %dot_general3A_162 = arith.constant dense<0.000000e+00> : vector<1024x128xf32>
    %dot_general3A_163 = tpu.matmul %max3A_158, %get3A_161, %dot_general3A_162 {dimension_numbers = #tpu.dot_dimension_numbers<[1], [1], [0], [0], [0, 0, 1, 0], [], []>, transpose_lhs_hint = false} : vector<1024x128xf32>, vector<128x128xf32>, vector<1024x128xf32> -> vector<1024x128xf32>
    %get3A_164 = arith.constant 0 : index
    %get3A_165 = arith.constant 0 : index
    %get3A_166 = vector.load %arg10[%get3A_164, %get3A_165] : memref<1x128xf32, #tpu.memory_space<vmem>>, vector<1x128xf32>
    %add3A_167 = vector.broadcast %get3A_166 : vector<1x128xf32> to vector<1024x128xf32>
    %add3A_168 = arith.addf %dot_general3A_163, %add3A_167 : vector<1024x128xf32>
    %max3A_169 = arith.constant 0.000000e+00 : f32
    %max3A_170 = vector.broadcast %max3A_169 : f32 to vector<1024x128xf32>
    %max3A_171 = arith.maximumf %add3A_168, %max3A_170 : vector<1024x128xf32>
    %get3A_172 = arith.constant 0 : index
    %get3A_173 = arith.constant 0 : index
    %get3A_174 = vector.load %arg11[%get3A_172, %get3A_173] : memref<128x128xf32, #tpu.memory_space<vmem>>, vector<128x128xf32>
    %dot_general3A_175 = arith.constant dense<0.000000e+00> : vector<1024x128xf32>
    %dot_general3A_176 = tpu.matmul %max3A_171, %get3A_174, %dot_general3A_175 {dimension_numbers = #tpu.dot_dimension_numbers<[1], [0], [0], [1], [0, 0, 1, 1], [], []>, transpose_lhs_hint = false} : vector<1024x128xf32>, vector<128x128xf32>, vector<1024x128xf32> -> vector<1024x128xf32>
    %get3A_177 = arith.constant 0 : index
    %get3A_178 = arith.constant 0 : index
    %get3A_179 = vector.load %arg12[%get3A_177, %get3A_178] : memref<1x128xf32, #tpu.memory_space<vmem>>, vector<1x128xf32>
    %add3A_180 = vector.broadcast %get3A_179 : vector<1x128xf32> to vector<1024x128xf32>
    %add3A_181 = arith.addf %dot_general3A_176, %add3A_180 : vector<1024x128xf32>
    %max3A_182 = arith.maximumf %max3A_136, %add3A_181 : vector<1024x128xf32>
    %swap3A = arith.constant 0 : index
    %swap3A_183 = arith.constant 0 : index
    %swap3A_184 = arith.constant 0 : index
    %swap3A_185 = vector.load %arg13[%swap3A, %swap3A_183, %swap3A_184] : memref<1x1024x128xf32, #tpu.memory_space<vmem>>, vector<1x1024x128xf32>
    %swap3A_186 = vector.shape_cast %swap3A_185 : vector<1x1024x128xf32> to vector<1024x128xf32>
    %swap3A_187 = vector.shape_cast %max3A_182 : vector<1024x128xf32> to vector<1x1024x128xf32>
    tpu.vector_store %arg13[%swap3A, %swap3A_183, %swap3A_184], %swap3A_187 {strides = array<i32>} : memref<1x1024x128xf32, #tpu.memory_space<vmem>>, vector<1x1024x128xf32>,
    return
  }
  func.func @transform_0(%arg0: i32, %arg1: i32) -> (i32, i32, i32) {
    %c0_i32 = arith.constant 0 : i32
    %c0_i32_0 = arith.constant 0 : i32
    return %arg0, %arg1, %c0_i32 : i32, i32, i32
  }
  func.func @transform_1(%arg0: i32, %arg1: i32) -> (i32, i32, i32, i32) {
    %c0_i32 = arith.constant 0 : i32
    %c0_i32_0 = arith.constant 0 : i32
    %c0_i32_1 = arith.constant 0 : i32
    return %arg0, %c0_i32, %arg1, %c0_i32_0 : i32, i32, i32, i32
  }
  func.func @transform_2(%arg0: i32, %arg1: i32) -> (i32, i32, i32, i32) {
    %c1_i32 = arith.constant 1 : i32
    %c0_i32 = arith.constant 0 : i32
    %c0_i32_0 = arith.constant 0 : i32
    return %arg0, %c1_i32, %arg1, %c0_i32 : i32, i32, i32, i32
  }
  func.func @transform_3(%arg0: i32, %arg1: i32) -> (i32, i32, i32, i32) {
    %c2_i32 = arith.constant 2 : i32
    %c0_i32 = arith.constant 0 : i32
    %c0_i32_0 = arith.constant 0 : i32
    return %arg0, %c2_i32, %arg1, %c0_i32 : i32, i32, i32, i32
  }
  func.func @transform_4(%arg0: i32, %arg1: i32) -> (i32, i32, i32, i32) {
    %c3_i32 = arith.constant 3 : i32
    %c0_i32 = arith.constant 0 : i32
    %c0_i32_0 = arith.constant 0 : i32
    return %arg0, %c3_i32, %arg1, %c0_i32 : i32, i32, i32, i32
  }
  func.func @transform_5(%arg0: i32, %arg1: i32) -> (i32, i32) {
    %c0_i32 = arith.constant 0 : i32
    %c0_i32_0 = arith.constant 0 : i32
    %c0_i32_1 = arith.constant 0 : i32
    return %c0_i32, %c0_i32_0 : i32, i32
  }
  func.func @transform_6(%arg0: i32, %arg1: i32) -> (i32, i32) {
    %c0_i32 = arith.constant 0 : i32
    %c0_i32_0 = arith.constant 0 : i32
    %c0_i32_1 = arith.constant 0 : i32
    return %c0_i32, %c0_i32_0 : i32, i32
  }
  func.func @transform_7(%arg0: i32, %arg1: i32) -> (i32, i32) {
    %c0_i32 = arith.constant 0 : i32
    %c0_i32_0 = arith.constant 0 : i32
    %c0_i32_1 = arith.constant 0 : i32
    return %c0_i32, %c0_i32_0 : i32, i32
  }
  func.func @transform_8(%arg0: i32, %arg1: i32) -> (i32, i32) {
    %c0_i32 = arith.constant 0 : i32
    %c0_i32_0 = arith.constant 0 : i32
    %c0_i32_1 = arith.constant 0 : i32
    return %c0_i32, %c0_i32_0 : i32, i32
  }
  func.func @transform_9(%arg0: i32, %arg1: i32) -> (i32, i32) {
    %c0_i32 = arith.constant 0 : i32
    %c0_i32_0 = arith.constant 0 : i32
    %c0_i32_1 = arith.constant 0 : i32
    return %c0_i32, %c0_i32_0 : i32, i32
  }
  func.func @transform_10(%arg0: i32, %arg1: i32) -> (i32, i32) {
    %c0_i32 = arith.constant 0 : i32
    %c0_i32_0 = arith.constant 0 : i32
    %c0_i32_1 = arith.constant 0 : i32
    return %c0_i32, %c0_i32_0 : i32, i32
  }
  func.func @transform_11(%arg0: i32, %arg1: i32) -> (i32, i32, i32) {
    %c0_i32 = arith.constant 0 : i32
    %c0_i32_0 = arith.constant 0 : i32
    return %arg0, %arg1, %c0_i32 : i32, i32, i32
  }
}

</mosaic_0001>

<sc_bundles>
// kernel: kernel.11.cloned.1.call-start
scs
__scs_entry_jumppad:
0x0: {  	(pc) =	sbr.rel $0x88, $3  }
0x1: {  	(tag) =	ssettag $0x0;
	lr =	simm.s32 $0x1  }
0x2: {  	[smem:$0x3F9A] =	sst lr;
	_ =	strace $0xD0000000  }
0x3: {  	_ = 	snop  }
0x4: {  	_ = 	snop  }
0x5: {  	_ = 	snop  }
0x6: {  	_ = 	snop  }
0x7: {  	_ = 	snop  }
__scs_overlays_trampoline_lowered:
0x8: {  	[smem:$0x3FA9] =	sst s0  }
0x9: {  	[smem:$0x3FAA] =	sst s1  }
0xa: {  	[smem:$0x3FAB] =	sst s2  }
0xb: {  	[smem:$0x3FAC] =	sst s3  }
0xc: {  	[smem:$0x3FAD] =	sst s4  }
0xd: {  	[smem:$0x3FAE] =	sst s5  }
0xe: {  	[smem:$0x3FAF] =	sst s6  }
0xf: {  	[smem:$0x3FB0] =	sst s7  }
0x10: {  	[smem:$0x3FB1] =	sst s8  }
0x11: {  	[smem:$0x3FB2] =	sst s9;
	s0 =	simm.s32 @!p0 $0x0  }
0x12: {  	s1 =	sld [smem:$0x3F98];
	s0 =	simm.s32 @p0 $0x1  }
0x13: {  	[smem:$0x3FB3] =	sst s0;
	s0 =	simm.s32 @!p1 $0x0  }
0x14: {  	s2 =	sld [smem:$0x3F97];
	s0 =	simm.s32 @p1 $0x1  }
0x15: {  	[smem:$0x3FB4] =	sst s0;
	s0 =	simm.s32 @!p2 $0x0  }
0x16: {  	s3 =	sld [smem:$0x3FDB];
	s0 =	simm.s32 @p2 $0x1  }
0x17: {  	s4 =	simm.s32 $0x1BF5;
	[smem:$0x3FB6] =	sst s0  }
0x18: {  	s0 =	sld [smem:$0x3F99];
	_ =	swait.ge [sflag:s4], $0x0  }
0x19: {  	s7 =	sld [smem:$0x3F9A]  }
0x1a: {  	s8 =	sadd.s32 $0xFFFFE003, lr  }
0x1b: {  	s9 =	sadd.s32 $0xFFFFFEF7, lr;
	s5 =	simm.s32 $0xFFFFFFFF;
	p2 =	slt.u32 s8, $0xFFFFF086  }
0x1c: {  	p1 =	slt.u32 s9, $0xF7A;
	s5 =	simm.s32 @!p2 $0x0  }
0x1d: {  	s5 =	simm.s32 @p1 $0x1;
	p0 =	seq.s32 s7, s2  }
0x1e: {  	s7 =	smul.u32 @!p0 $0xF7A, s2;
	p2 =	seq.s32 @!p0 s5, $0x0  }
0x1f: {  	s9 =	smul.u32 $0xF7A, s1;
	s8 =	simm.s32 @!p0 $0x1BF5;
	p2 =	por !p2, p0  }
0x20: {  	[sflag:s8] =	ssyncset.s32 @!p0 $0xFFFFF086;
	s6 =	sadd.s32 @!p0 s3, s7;
	s7 =	simm.s32 @!p0 $0x108  }
0x21: {  	s3 =	sadd.s32 s3, s9;
	s6 =	sadd.s32 @!p0 $0x88, s6;
	s7 =	simm.s32 @p2 $0x1082  }
0x22: {  	[simem:s7], [sflag:s8] =	dma.local @!p0 [hbm:s6], $0xF7A  }
0x23: {  	s9 =	sor.u32 $0xD0000000, s2;
	s6 =	simm.s32 $0x108;
	_ =	swait.ge @!p0 [sflag:s8], $0x0  }
0x24: {  	s3 =	sadd.s32 $0x88, s3;
	s6 =	simm.s32 @!p1 $0x1082;
	[sflag:s4] =	ssyncset.s32 $0xFFFFF086  }
0x25: {  	[simem:s6], [sflag:s4] =	dma.local [hbm:s3], $0xF7A  }
0x26: {  	[smem:$0x3F9A] =	sst s1;
	(tag) =	ssettag s2;
	_ =	strace s9  }
0x27: {  	s1 =	sld [smem:$0x3FAA]  }
0x28: {  	s2 =	sld [smem:$0x3FAB]  }
0x29: {  	s4 =	sld [smem:$0x3FAD]  }
0x2a: {  	p0 =	seq.s32 s5, $0x0;
	s5 =	sld [smem:$0x3FAE]  }
0x2b: {  	s6 =	sld [smem:$0x3FAF]  }
0x2c: {  	s7 =	sld [smem:$0x3FB0]  }
0x2d: {  	s3 =	simm.s32 $0x108;
	s8 =	sld [smem:$0x3FB1]  }
0x2e: {  	s3 =	simm.s32 @!p0 $0x1082;
	s9 =	sld [smem:$0x3FB2]  }
0x2f: {  	lr =	sadd.s32 s0, s3;
	s0 =	sld [smem:$0x3FA9]  }
0x30: {  	s3 =	sld [smem:$0x3FAC]  }
0x31: {  	[smem:$0x3FB5] =	sst s10  }
0x32: {  	s10 =	sld [smem:$0x3FB3];
	_ =	sdelay $0x3  }
0x33: {  	p0 =	seq.s32 s10, $0x1;
	s10 =	sld [smem:$0x3FB5];
	_ =	sdelay $0x3  }
0x34: {  	[smem:$0x3FB5] =	sst s10  }
0x35: {  	s10 =	sld [smem:$0x3FB4];
	_ =	sdelay $0x3  }
0x36: {  	p1 =	seq.s32 s10, $0x1;
	s10 =	sld [smem:$0x3FB5];
	_ =	sdelay $0x3  }
0x37: {  	[smem:$0x3FB5] =	sst s10  }
0x38: {  	s10 =	sld [smem:$0x3FB6]  }
0x39: {  	_ = 	snop;
	(pc) =	sbr.ind lr, $3  }
0x3a: {  	_ = 	snop  }
0x3b: {  	_ = 	snop  }
0x3c: {  	p2 =	seq.s32 s10, $0x1;
	s10 =	sld [smem:$0x3FB5]  }
0x3d: {  	_ =	shalt  }
0x3e: {  	_ =	shalt  }
0x3f: {  	_ =	shalt  }
0x40: {  	_ =	shalt  }
0x41: {  	_ =	shalt  }
0x42: {  	_ =	shalt  }
0x43: {  	_ =	shalt  }
0x44: {  	_ =	shalt  }
0x45: {  	_ =	shalt  }
0x46: {  	_ =	shalt  }
0x47: {  	_ =	shalt  }
0x48: {  	_ =	shalt  }
0x49: {  	_ =	shalt  }
0x4a: {  	_ =	shalt  }
0x4b: {  	_ =	shalt  }
0x4c: {  	_ =	shalt  }
0x4d: {  	_ =	shalt  }
0x4e: {  	_ =	shalt  }
0x4f: {  	_ =	shalt  }
0x50: {  	_ =	shalt  }
0x51: {  	_ =	shalt  }
0x52: {  	_ =	shalt  }
0x53: {  	_ =	shalt  }
0x54: {  	_ =	shalt  }
0x55: {  	_ =	shalt  }
0x56: {  	_ =	shalt  }
0x57: {  	_ =	shalt  }
0x58: {  	_ =	shalt  }
0x59: {  	_ =	shalt  }
0x5a: {  	_ =	shalt  }
0x5b: {  	_ =	shalt  }
0x5c: {  	_ =	shalt  }
0x5d: {  	_ =	shalt  }
0x5e: {  	_ =	shalt  }
0x5f: {  	_ =	shalt  }
0x60: {  	_ =	shalt  }
0x61: {  	_ =	shalt  }
0x62: {  	_ =	shalt  }
0x63: {  	_ =	shalt  }
0x64: {  	_ =	shalt  }
0x65: {  	_ =	shalt  }
0x66: {  	_ =	shalt  }
0x67: {  	_ =	shalt  }
0x68: {  	_ =	shalt  }
0x69: {  	_ =	shalt  }
0x6a: {  	_ =	shalt  }
0x6b: {  	_ =	shalt  }
0x6c: {  	_ =	shalt  }
0x6d: {  	_ =	shalt  }
0x6e: {  	_ =	shalt  }
0x6f: {  	_ =	shalt  }
0x70: {  	_ =	shalt  }
0x71: {  	_ =	shalt  }
0x72: {  	_ =	shalt  }
0x73: {  	_ =	shalt  }
0x74: {  	_ =	shalt  }
0x75: {  	_ =	shalt  }
0x76: {  	_ =	shalt  }
0x77: {  	_ =	shalt  }
0x78: {  	_ =	shalt  }
0x79: {  	_ =	shalt  }
0x7a: {  	_ =	shalt  }
0x7b: {  	_ =	shalt  }
0x7c: {  	_ =	shalt  }
0x7d: {  	_ =	shalt  }
0x7e: {  	_ =	shalt  }
0x7f: {  	_ =	shalt  }
0x80: {  	_ =	shalt  }
0x81: {  	_ =	shalt  }
0x82: {  	_ =	shalt  }
0x83: {  	_ =	shalt  }
0x84: {  	_ =	shalt  }
0x85: {  	_ =	shalt  }
0x86: {  	_ =	shalt  }
0x87: {  	_ =	shalt  }
.Lfunc_end0:
.L_simem_size_0:
called_computation.1_lowered:
.L_overlay_start_0:
0x88: {  	s2 =	sld [smem:$0x3FD9]  }
0x89: {  	s3 =	sld [smem:$0x3FFE];
	_ =	sdelay $0x1  }
0x8a: {  	s1 =	srdreg.scid  }
0x8b: {  	s0 =	sand.u32 $0x1, s1  }
0x8c: {  	s17 =	sshll.u32 s0, $0xA;
	s2 =	sadd.s32 s3, s2  }
0x8d: {  	s2 =	sadd.s32 s2, s17  }
0x8e: {  	[smem:$0x3FC1] =	sst s2  }
0x8f: {  	_ = 	snop  }
0x90: {  	s18 =	sld [smem:$0x3FD0];
	(tm) =	ssettm $0x1  }
0x91: {  	s19 =	sld [smem:$0x3FFB];
	_ =	sdelay $0x3  }
0x92: {  	_ =	strace s19  }
0x93: {  	s2 =	sld [smem:$0x3FFC];
	_ =	sdelay $0x3  }
0x94: {  	_ =	strace s2  }
0x95: {  	s2 =	sld [smem:$0x3FFD];
	_ =	sdelay $0x3  }
0x96: {  	_ =	strace s2  }
0x97: {  	_ =	strace $0x8FFFFFFF  }
0x98: {  	s20 =	sld [smem:$0x3FDB];
	_ =	sdelay $0x1  }
0x99: {  	s4 =	simm.s32 $_scs_section_size  }
0x9a: {  	s5 =	simm.s32 $_size__tile_overlayer_lowered;
	s6 =	simm.s32 $_tile_overlayer_lowered  }
0x9b: {  	s7 =	simm.s32 $0x1BFF;
	s21 =	sshll.u32 s6, $0x1;
	s4 =	sadd.s32 s4, s20  }
0x9c: {  	s22 =	simm.s32 $0x0;
	s5 =	sshll.u32 s5, $0x1;
	s6 =	sadd.s32 s21, s4  }
0x9d: {  	[timem:s22], [sflag:s7] =	dma.local [hbm:s6], s5  }
0x9e: {  	_ =	swait.ge [sflag:s7], s5  }
0x9f: {  	s5 =	ssub.s32 $0x0, s5;
	[sflag:s7] =	ssyncset.done $0x0  }
0xa0: {  	[sflag:s7] =	ssyncadd.s32 s5;
	_ =	sdelay $0x1  }
0xa1: {  	s23 =	simm.s32 $0x1B8B  }
0xa2: {  	_ =	swait.ge [sflag:s23], $0x1  }
0xa3: {  	[sflag:s23] =	ssyncset.done $0x0  }
0xa4: {  	[sflag:s23] =	ssyncadd.s32 $0xFFFFFFFF  }
0xa5: {  	s5 =	sld [smem:$0x0]  }
0xa6: {  	s6 =	sand.u32 $0xFFFFFFFE, s1  }
0xa7: {  	p0 =	sne.s32 s1, s6  }
0xa8: {  	s6 =	sshll.u32 @p0 s6, $0xE  }
0xa9: {  	s6 =	sadd.s32 @p0 $0x11B8D, s6;
	s7 =	sshll.u32 @p0 s5, $0x11  }
0xaa: {  	s6 =	sor.u32 @p0 s7, s6  }
0xab: {  	[sflag:s6] =	ssyncadd.remote.s32 @p0 $0x1;
	_ =	sdelay $0x1  }
0xac: {  	s6 =	simm.s32 @p0 $0x1B8D  }
0xad: {  	_ =	swait.eq @p0 [sflag:s6], $0x1  }
0xae: {  	[sflag:s6] =	ssyncadd.s32 @p0 $0xFFFFFFFF  }
0xaf: {  	s7 =	sshll.u32 @!p0 s1, $0xE  }
0xb0: {  	s7 =	sor.u32 @!p0 $0x4000, s7;
	s6 =	simm.s32 @!p0 $0x1B8D  }
0xb1: {  	s5 =	sshll.u32 @!p0 s5, $0x11;
	s7 =	sadd.s32 @!p0 $0x11B8D, s7;
	_ =	swait.eq @!p0 [sflag:s6], $0x1  }
0xb2: {  	s5 =	sor.u32 @!p0 s5, s7;
	[sflag:s6] =	ssyncadd.s32 @!p0 $0xFFFFFFFF  }
0xb3: {  	s25 =	simm.s32 $0x1B8E;
	s24 =	sld [smem:$0x3FFE];
	[sflag:s5] =	ssyncadd.remote.s32 @!p0 $0x1  }
0xb4: {  	s26 =	simm.s32 $execute0_lowered;
	[smem:$0x3FD2] =	sst s25  }
0xb5: {  	s6 =	sshll.u32 s26, $0x1;
	_ =	strace $0x80000049;
	[dreg:$0x1] =	wrdreg $0xFFFFFFFF  }
0xb6: {  	s28 =	simm.s32 $_size_execute0_lowered;
	s4 =	sadd.s32 s4, s6;
	[dreg:$0x0] =	wrdreg $0x0  }
0xb7: {  	s6 =	sshll.u32 s28, $0x1;
	[dreg:$0x2] =	wrdreg s4  }
0xb8: {  	[dreg:$0x3] =	wrdreg s6  }
0xb9: {  	[dreg:$0x4] =	wrdreg $0xC0  }
0xba: {  	_ =	task [dreg:s22], $0x5FFFF  }
0xbb: {  	[dreg:$0x1] =	wrdreg $0xFFFFFFFF  }
0xbc: {  	[dreg:$0x0] =	wrdreg $0x60  }
0xbd: {  	[dreg:$0x2] =	wrdreg s18  }
0xbe: {  	[dreg:$0x3] =	wrdreg s24  }
0xbf: {  	[dreg:$0x4] =	wrdreg $0xA  }
0xc0: {  	_ =	task.clear_ibuf [dreg:s22], $0x5FFFF;
	_ =	strace $0x90000049  }
0xc1: {  	s29 =	simm.s32 $0xA;
	_ =	strace $0x8000004B  }
0xc2: {  	_ =	swait.ge [sflag:s29], $0x1  }
0xc3: {  	[sflag:s29] =	ssyncadd.s32 $0xFFFFFFFF  }
0xc4: {  	_ =	strace $0x9000004B  }
0xc5: {  	_ =	sfence  }
0xc6: {  	s30 =	sld [smem:$0x0];
	_ =	sdelay $0x2  }
0xc7: {  	s31 =	sshll.u32 s1, $0xD;
	s1 =	sshrl.u32 s1, $0x2  }
0xc8: {  	s4 =	sand.u32 $0x4000, s31;
	s1 =	sadd.s32 s1, s30  }
0xc9: {  	s0 =	sor.u32 s4, s0;
	s1 =	sshll.u32 s1, $0x11  }
0xca: {  	s0 =	sor.u32 s1, s0  }
0xcb: {  	s0 =	sadd.s32 $0x8F2B, s0  }
0xcc: {  	[sflag:s0] =	ssyncadd.remote.s32 $0x1  }
0xcd: {  	_ =	sfence.sel $0xFFFF  }
0xce: {  	[dreg:$0x0] =	wrdreg $0xFFFFFFFF;
	(pc) =	sbr.abs _section_cstart, $3  }
0xcf: {  	[dreg:$0x1] =	wrdreg $0xFFFFFFFF  }
0xd0: {  	_ =	task.clear_ibuf [dreg:s22], $0x2FFFF;
	_ =	strace $0x9FFFFFFF  }
0xd1: {  	(tm) =	ssettm $0x7FFFFFFF  }
tec
execute0_lowered:
.L_overlay_start_1:
0x0: {  	(tag) =	ssettag $0x1  }
0x1: {  	s1 =	srdreg.scid  }
0x2: {  	s0 =	stileid.u32;
	s10 =	sand.u32 $0x1, s1  }
0x3: {  	s2 =	rddreg [dreg:$0x0];
	s30 =	sshll.u32 s0, $0xB;
	s3 =	sshll.u32 s10, $0xA  }
0x4: {  	s9 =	rddreg [dreg:$0x1];
	s11 =	sor.u32 s3, s30  }
0x5: {  	s1 =	rddreg [dreg:$0x2];
	s3 =	simm.s32 $0x0;
	s4 =	sshrl.u32 s11, $0x3  }
0x6: {  	[smem:$0x7FF] =	sst s3;
	s4 =	sadd.s32 s4, s9  }
0x7: {  	_ =	strace $0x8000004A;
	s5 =	sadd.s32 $0xA3200, s4;
	s4 =	simm.s32 $0x2  }
0x8: {  	[tilespmem:s3], [sflag:$0x2] =	stream.linear.gather [hbm4b:s5+s3], $0x400, $0x38;
	[tilespmem:$0x10400] =	vst v63  }
0x9: {  	_ =	swait.ge [sflag:s4], $0x400  }
0xa: {  	s6 =	simm.s32 $0x200;
	[sflag:s4] =	ssyncset.done $0x0  }
0xb: {  	s7 =	simm.s32 $0x400;
	s8 =	simm.s32 $0x1;
	[sflag:s4] =	ssyncadd.s32 $0xFFFFFC00  }
0xc: {  	[tilespmem:s7], [sflag:$0x1] =	stream.indirect.gather [hbm4b:s2+s6], $0x80, s3, s6, $0xb8;
	[tilespmem:$0x10400] =	vst v63  }
0xd: {  	s11 =	sshll.u32 s11, $0x4;
	_ =	swait.ge [sflag:s8], $0x10000  }
0xe: {  	s11 =	sadd.s32 s11, s9;
	[sflag:s8] =	ssyncset.done $0x0  }
0xf: {  	s10 =	ssub.s32 $0x2, s10;
	s9 =	sadd.s32 $0xA4200, s11;
	[sflag:s8] =	ssyncadd.s32 $0xFFFF0000  }
0x10: {  	[hbm4b:s9+s3] =	stream.linear.scatter [tilespmem:s7], [sflag:$0x2], $0x10000, $0x38;
	[tilespmem:$0x10400] =	vst v63  }
0x11: {  	s12 =	sshrl.u32 s10, $0x1;
	_ =	swait.ge [sflag:s4], $0x10000  }
0x12: {  	s12 =	ssub.s32 s10, s12;
	[sflag:s4] =	ssyncset.done $0x0  }
0x13: {  	s31 =	smax.u32 s12, $0x1;
	[sflag:s4] =	ssyncadd.s32 $0xFFFF0000  }
0x14: {  	[tilespmem:s7], [sflag:$0x1] =	stream.indirect.gather [hbm4b:s2+s6], $0x80, s6, s6, $0xb8;
	[tilespmem:$0x10400] =	vst v63  }
0x15: {  	p0 =	sne.s32 s31, $0x1;
	_ =	swait.ge [sflag:s8], $0x10000  }
.Ltmp0:
0x16: {  	[sflag:s8] =	ssyncset.done $0x0;
	(pc) =	sbr.rel @!p0 .LBB2_2-.Ltmp0, $4  }
0x17: {  	s10 =	sadd.s32 $0xA6200, s11;
	[sflag:s8] =	ssyncadd.s32 $0xFFFF0000  }
0x18: {  	[hbm4b:s10+s3] =	stream.linear.scatter [tilespmem:s7], [sflag:$0x2], $0x10000, $0x38;
	[tilespmem:$0x10400] =	vst v63  }
0x19: {  	_ =	swait.ge [sflag:s4], $0x10000  }
0x1a: {  	s11 =	sadd.s32 $0xFFFFFFFF, s31;
	[sflag:s4] =	ssyncset.done $0x0  }
.LBB2_1:
0x1b: {  	p0 =	sne.s32 s11, $0x1;
	s11 =	sadd.s32 $0xFFFFFFFF, s11;
	[sflag:s4] =	ssyncadd.s32 $0xFFFF0000  }
0x1c: {  	[tilespmem:s3], [sflag:$0x2] =	stream.linear.gather [hbm4b:s5+s3], $0x400, $0x38;
	[tilespmem:$0x10400] =	vst v63  }
0x1d: {  	_ =	swait.ge [sflag:s4], $0x400  }
0x1e: {  	[sflag:s4] =	ssyncset.done $0x0  }
0x1f: {  	[sflag:s4] =	ssyncadd.s32 $0xFFFFFC00  }
0x20: {  	[tilespmem:s7], [sflag:$0x1] =	stream.indirect.gather [hbm4b:s2+s6], $0x80, s3, s6, $0xb8;
	[tilespmem:$0x10400] =	vst v63  }
0x21: {  	_ =	swait.ge [sflag:s8], $0x10000  }
0x22: {  	[sflag:s8] =	ssyncset.done $0x0  }
0x23: {  	[sflag:s8] =	ssyncadd.s32 $0xFFFF0000  }
0x24: {  	[hbm4b:s9+s3] =	stream.linear.scatter [tilespmem:s7], [sflag:$0x2], $0x10000, $0x38;
	[tilespmem:$0x10400] =	vst v63  }
0x25: {  	_ =	swait.ge [sflag:s4], $0x10000  }
0x26: {  	[sflag:s4] =	ssyncset.done $0x0  }
0x27: {  	[sflag:s4] =	ssyncadd.s32 $0xFFFF0000  }
0x28: {  	[tilespmem:s7], [sflag:$0x1] =	stream.indirect.gather [hbm4b:s2+s6], $0x80, s6, s6, $0xb8;
	[tilespmem:$0x10400] =	vst v63  }
0x29: {  	_ =	swait.ge [sflag:s8], $0x10000  }
.Ltmp1:
0x2a: {  	[sflag:s8] =	ssyncset.done $0x0;
	(pc) =	sbr.rel @p0 .LBB2_1-.Ltmp1, $4  }
0x2b: {  	[sflag:s8] =	ssyncadd.s32 $0xFFFF0000  }
0x2c: {  	[hbm4b:s10+s3] =	stream.linear.scatter [tilespmem:s7], [sflag:$0x2], $0x10000, $0x38;
	[tilespmem:$0x10400] =	vst v63  }
0x2d: {  	_ =	swait.ge [sflag:s4], $0x10000  }
0x2e: {  	[sflag:s4] =	ssyncset.done $0x0  }
.LBB2_2:
0x2f: {  	[sflag:s4] =	ssyncadd.s32 $0xFFFF0000  }
0x30: {  	_ =	sfence.sel $0x180000  }
0x31: {  	[bflag:$0x0] =	sbarrier.arrive $0xFFFF  }
0x32: {  	p0 =	sne.s32 s0, $0x0;
	_ =	strace $0x9000004A  }
0x33: {  	s0 =	sadd.s32 @!p0 $0x100000, s1;
	[bflag:$0x2] =	sbarrier.arrive $0xFFFF  }
0x34: {  	[sflag:s0] =	ssyncadd.tile.s32 @!p0 $0x1;
	_ =	shalt  }
.Lfunc_end2:
_tile_overlayer_lowered:
.L_overlay_start_2:
0x35: {  	(tag) =	ssettag $0x2  }
0x36: {  	s0 =	rddreg [dreg:$0x0];
	s2 =	stileid.u32  }
0x37: {  	s1 =	rddreg [dreg:$0x1];
	p0 =	sne.s32 s2, $0x0  }
0x38: {  	s3 =	rddreg [dreg:$0x2];
	[bflag:$0x3] =	sbarrier.arrive $0xFFFF;
	s2 =	simm.s32 @!p0 $0x1C02  }
0x39: {  	[timem:s3], [sflag:s2] =	dma.local @!p0 [hbm:s0], s1  }
0x3a: {  	s0 =	simm.s32 @!p0 $0x2  }
0x3b: {  	_ =	swait.ge @!p0 [sflag:s0], s1  }
0x3c: {  	s1 =	ssub.s32 @!p0 $0x0, s1;
	[sflag:s0] =	ssyncset.done @!p0 $0x0  }
0x3d: {  	[sflag:s0] =	ssyncadd.s32 @!p0 s1  }
0x3e: {  	[bflag:$0x3] =	sbarrier.arrive $0xFFFF  }
0x3f: {  	_ =	shalt  }

// kernel: kernel.8.cloned.1.call-start
scs
__scs_entry_jumppad:
0x0: {  	(pc) =	sbr.rel $0x88, $3  }
0x1: {  	(tag) =	ssettag $0x0;
	lr =	simm.s32 $0x1  }
0x2: {  	[smem:$0x3F9A] =	sst lr;
	_ =	strace $0xD0000000  }
0x3: {  	_ = 	snop  }
0x4: {  	_ = 	snop  }
0x5: {  	_ = 	snop  }
0x6: {  	_ = 	snop  }
0x7: {  	_ = 	snop  }
__scs_overlays_trampoline_lowered:
0x8: {  	[smem:$0x3FA9] =	sst s0  }
0x9: {  	[smem:$0x3FAA] =	sst s1  }
0xa: {  	[smem:$0x3FAB] =	sst s2  }
0xb: {  	[smem:$0x3FAC] =	sst s3  }
0xc: {  	[smem:$0x3FAD] =	sst s4  }
0xd: {  	[smem:$0x3FAE] =	sst s5  }
0xe: {  	[smem:$0x3FAF] =	sst s6  }
0xf: {  	[smem:$0x3FB0] =	sst s7  }
0x10: {  	[smem:$0x3FB1] =	sst s8  }
0x11: {  	[smem:$0x3FB2] =	sst s9;
	s0 =	simm.s32 @!p0 $0x0  }
0x12: {  	s1 =	sld [smem:$0x3F98];
	s0 =	simm.s32 @p0 $0x1  }
0x13: {  	[smem:$0x3FB3] =	sst s0;
	s0 =	simm.s32 @!p1 $0x0  }
0x14: {  	s2 =	sld [smem:$0x3F97];
	s0 =	simm.s32 @p1 $0x1  }
0x15: {  	[smem:$0x3FB4] =	sst s0;
	s0 =	simm.s32 @!p2 $0x0  }
0x16: {  	s3 =	sld [smem:$0x3FDB];
	s0 =	simm.s32 @p2 $0x1  }
0x17: {  	s4 =	simm.s32 $0x1BF5;
	[smem:$0x3FB6] =	sst s0  }
0x18: {  	s0 =	sld [smem:$0x3F99];
	_ =	swait.ge [sflag:s4], $0x0  }
0x19: {  	s7 =	sld [smem:$0x3F9A]  }
0x1a: {  	s8 =	sadd.s32 $0xFFFFE003, lr  }
0x1b: {  	s9 =	sadd.s32 $0xFFFFFEF7, lr;
	s5 =	simm.s32 $0xFFFFFFFF;
	p2 =	slt.u32 s8, $0xFFFFF086  }
0x1c: {  	p1 =	slt.u32 s9, $0xF7A;
	s5 =	simm.s32 @!p2 $0x0  }
0x1d: {  	s5 =	simm.s32 @p1 $0x1;
	p0 =	seq.s32 s7, s2  }
0x1e: {  	s7 =	smul.u32 @!p0 $0xF7A, s2;
	p2 =	seq.s32 @!p0 s5, $0x0  }
0x1f: {  	s9 =	smul.u32 $0xF7A, s1;
	s8 =	simm.s32 @!p0 $0x1BF5;
	p2 =	por !p2, p0  }
0x20: {  	[sflag:s8] =	ssyncset.s32 @!p0 $0xFFFFF086;
	s6 =	sadd.s32 @!p0 s3, s7;
	s7 =	simm.s32 @!p0 $0x108  }
0x21: {  	s3 =	sadd.s32 s3, s9;
	s6 =	sadd.s32 @!p0 $0x88, s6;
	s7 =	simm.s32 @p2 $0x1082  }
0x22: {  	[simem:s7], [sflag:s8] =	dma.local @!p0 [hbm:s6], $0xF7A  }
0x23: {  	s9 =	sor.u32 $0xD0000000, s2;
	s6 =	simm.s32 $0x108;
	_ =	swait.ge @!p0 [sflag:s8], $0x0  }
0x24: {  	s3 =	sadd.s32 $0x88, s3;
	s6 =	simm.s32 @!p1 $0x1082;
	[sflag:s4] =	ssyncset.s32 $0xFFFFF086  }
0x25: {  	[simem:s6], [sflag:s4] =	dma.local [hbm:s3], $0xF7A  }
0x26: {  	[smem:$0x3F9A] =	sst s1;
	(tag) =	ssettag s2;
	_ =	strace s9  }
0x27: {  	s1 =	sld [smem:$0x3FAA]  }
0x28: {  	s2 =	sld [smem:$0x3FAB]  }
0x29: {  	s4 =	sld [smem:$0x3FAD]  }
0x2a: {  	p0 =	seq.s32 s5, $0x0;
	s5 =	sld [smem:$0x3FAE]  }
0x2b: {  	s6 =	sld [smem:$0x3FAF]  }
0x2c: {  	s7 =	sld [smem:$0x3FB0]  }
0x2d: {  	s3 =	simm.s32 $0x108;
	s8 =	sld [smem:$0x3FB1]  }
0x2e: {  	s3 =	simm.s32 @!p0 $0x1082;
	s9 =	sld [smem:$0x3FB2]  }
0x2f: {  	lr =	sadd.s32 s0, s3;
	s0 =	sld [smem:$0x3FA9]  }
0x30: {  	s3 =	sld [smem:$0x3FAC]  }
0x31: {  	[smem:$0x3FB5] =	sst s10  }
0x32: {  	s10 =	sld [smem:$0x3FB3];
	_ =	sdelay $0x3  }
0x33: {  	p0 =	seq.s32 s10, $0x1;
	s10 =	sld [smem:$0x3FB5];
	_ =	sdelay $0x3  }
0x34: {  	[smem:$0x3FB5] =	sst s10  }
0x35: {  	s10 =	sld [smem:$0x3FB4];
	_ =	sdelay $0x3  }
0x36: {  	p1 =	seq.s32 s10, $0x1;
	s10 =	sld [smem:$0x3FB5];
	_ =	sdelay $0x3  }
0x37: {  	[smem:$0x3FB5] =	sst s10  }
0x38: {  	s10 =	sld [smem:$0x3FB6]  }
0x39: {  	_ = 	snop;
	(pc) =	sbr.ind lr, $3  }
0x3a: {  	_ = 	snop  }
0x3b: {  	_ = 	snop  }
0x3c: {  	p2 =	seq.s32 s10, $0x1;
	s10 =	sld [smem:$0x3FB5]  }
0x3d: {  	_ =	shalt  }
0x3e: {  	_ =	shalt  }
0x3f: {  	_ =	shalt  }
0x40: {  	_ =	shalt  }
0x41: {  	_ =	shalt  }
0x42: {  	_ =	shalt  }
0x43: {  	_ =	shalt  }
0x44: {  	_ =	shalt  }
0x45: {  	_ =	shalt  }
0x46: {  	_ =	shalt  }
0x47: {  	_ =	shalt  }
0x48: {  	_ =	shalt  }
0x49: {  	_ =	shalt  }
0x4a: {  	_ =	shalt  }
0x4b: {  	_ =	shalt  }
0x4c: {  	_ =	shalt  }
0x4d: {  	_ =	shalt  }
0x4e: {  	_ =	shalt  }
0x4f: {  	_ =	shalt  }
0x50: {  	_ =	shalt  }
0x51: {  	_ =	shalt  }
0x52: {  	_ =	shalt  }
0x53: {  	_ =	shalt  }
0x54: {  	_ =	shalt  }
0x55: {  	_ =	shalt  }
0x56: {  	_ =	shalt  }
0x57: {  	_ =	shalt  }
0x58: {  	_ =	shalt  }
0x59: {  	_ =	shalt  }
0x5a: {  	_ =	shalt  }
0x5b: {  	_ =	shalt  }
0x5c: {  	_ =	shalt  }
0x5d: {  	_ =	shalt  }
0x5e: {  	_ =	shalt  }
0x5f: {  	_ =	shalt  }
0x60: {  	_ =	shalt  }
0x61: {  	_ =	shalt  }
0x62: {  	_ =	shalt  }
0x63: {  	_ =	shalt  }
0x64: {  	_ =	shalt  }
0x65: {  	_ =	shalt  }
0x66: {  	_ =	shalt  }
0x67: {  	_ =	shalt  }
0x68: {  	_ =	shalt  }
0x69: {  	_ =	shalt  }
0x6a: {  	_ =	shalt  }
0x6b: {  	_ =	shalt  }
0x6c: {  	_ =	shalt  }
0x6d: {  	_ =	shalt  }
0x6e: {  	_ =	shalt  }
0x6f: {  	_ =	shalt  }
0x70: {  	_ =	shalt  }
0x71: {  	_ =	shalt  }
0x72: {  	_ =	shalt  }
0x73: {  	_ =	shalt  }
0x74: {  	_ =	shalt  }
0x75: {  	_ =	shalt  }
0x76: {  	_ =	shalt  }
0x77: {  	_ =	shalt  }
0x78: {  	_ =	shalt  }
0x79: {  	_ =	shalt  }
0x7a: {  	_ =	shalt  }
0x7b: {  	_ =	shalt  }
0x7c: {  	_ =	shalt  }
0x7d: {  	_ =	shalt  }
0x7e: {  	_ =	shalt  }
0x7f: {  	_ =	shalt  }
0x80: {  	_ =	shalt  }
0x81: {  	_ =	shalt  }
0x82: {  	_ =	shalt  }
0x83: {  	_ =	shalt  }
0x84: {  	_ =	shalt  }
0x85: {  	_ =	shalt  }
0x86: {  	_ =	shalt  }
0x87: {  	_ =	shalt  }
.Lfunc_end0:
.L_simem_size_0:
called_computation_lowered:
.L_overlay_start_0:
0x88: {  	s2 =	sld [smem:$0x3FD9]  }
0x89: {  	s3 =	sld [smem:$0x3FFE];
	_ =	sdelay $0x1  }
0x8a: {  	s1 =	srdreg.scid  }
0x8b: {  	s0 =	sand.u32 $0x1, s1  }
0x8c: {  	s16 =	sshll.u32 s0, $0xA;
	s2 =	sadd.s32 s3, s2  }
0x8d: {  	s2 =	sadd.s32 s2, s16  }
0x8e: {  	[smem:$0x3FC1] =	sst s2  }
0x8f: {  	_ = 	snop  }
0x90: {  	(tm) =	ssettm $0x1  }
0x91: {  	s17 =	sld [smem:$0x3FFB];
	_ =	sdelay $0x3  }
0x92: {  	_ =	strace s17  }
0x93: {  	s2 =	sld [smem:$0x3FFC];
	_ =	sdelay $0x3  }
0x94: {  	_ =	strace s2  }
0x95: {  	s2 =	sld [smem:$0x3FFD];
	_ =	sdelay $0x3  }
0x96: {  	_ =	strace s2  }
0x97: {  	_ =	strace $0x8FFFFFFF  }
0x98: {  	s18 =	sld [smem:$0x3FDB];
	_ =	sdelay $0x1  }
0x99: {  	s19 =	simm.s32 $_scs_section_size  }
0x9a: {  	s4 =	simm.s32 $_size__tile_overlayer_lowered;
	s5 =	simm.s32 $_tile_overlayer_lowered  }
0x9b: {  	s22 =	simm.s32 $0x1BFF;
	s21 =	sshll.u32 s5, $0x1;
	s2 =	sadd.s32 s19, s18  }
0x9c: {  	s6 =	simm.s32 $0x0;
	s20 =	sshll.u32 s4, $0x1;
	s4 =	sadd.s32 s21, s2  }
0x9d: {  	[timem:s6], [sflag:s22] =	dma.local [hbm:s4], s20  }
0x9e: {  	_ =	swait.ge [sflag:s22], s20  }
0x9f: {  	s3 =	ssub.s32 $0x0, s20;
	[sflag:s22] =	ssyncset.done $0x0  }
0xa0: {  	[sflag:s22] =	ssyncadd.s32 s3;
	_ =	sdelay $0x1  }
0xa1: {  	s23 =	simm.s32 $0x1B8B  }
0xa2: {  	_ =	swait.ge [sflag:s23], $0x1  }
0xa3: {  	[sflag:s23] =	ssyncset.done $0x0  }
0xa4: {  	s25 =	simm.s32 $0x1B8E;
	s24 =	sld [smem:$0x3FFE];
	[sflag:s23] =	ssyncadd.s32 $0xFFFFFFFF  }
0xa5: {  	s26 =	simm.s32 $execute0_lowered;
	[smem:$0x3FD2] =	sst s25  }
0xa6: {  	s4 =	sshll.u32 s26, $0x1;
	_ =	strace $0x80000046;
	[dreg:$0x1] =	wrdreg $0xFFFFFFFF  }
0xa7: {  	s28 =	simm.s32 $_size_execute0_lowered;
	s2 =	sadd.s32 s2, s4;
	[dreg:$0x0] =	wrdreg $0x0  }
0xa8: {  	s4 =	sshll.u32 s28, $0x1;
	[dreg:$0x2] =	wrdreg s2  }
0xa9: {  	[dreg:$0x3] =	wrdreg s4  }
0xaa: {  	[dreg:$0x4] =	wrdreg $0xC0  }
0xab: {  	_ =	task [dreg:s6], $0x5FFFF  }
0xac: {  	[dreg:$0x1] =	wrdreg $0xFFFFFFFF  }
0xad: {  	[dreg:$0x0] =	wrdreg $0x60  }
0xae: {  	[dreg:$0x2] =	wrdreg s24  }
0xaf: {  	[dreg:$0x3] =	wrdreg $0x9  }
0xb0: {  	_ =	task.clear_ibuf [dreg:s6], $0x4FFFF;
	_ =	strace $0x90000046  }
0xb1: {  	s29 =	simm.s32 $0x9;
	_ =	strace $0x80000048  }
0xb2: {  	_ =	swait.ge [sflag:s29], $0x1  }
0xb3: {  	[sflag:s29] =	ssyncadd.s32 $0xFFFFFFFF  }
0xb4: {  	_ =	strace $0x90000048  }
0xb5: {  	_ =	sfence  }
0xb6: {  	s30 =	sld [smem:$0x0];
	_ =	sdelay $0x2  }
0xb7: {  	s31 =	sshll.u32 s1, $0xD;
	s1 =	sshrl.u32 s1, $0x2  }
0xb8: {  	s3 =	sand.u32 $0x4000, s31;
	s1 =	sadd.s32 s1, s30  }
0xb9: {  	s0 =	sor.u32 s3, s0;
	s1 =	sshll.u32 s1, $0x11  }
0xba: {  	s0 =	sor.u32 s1, s0  }
0xbb: {  	s0 =	sadd.s32 $0x8F2B, s0  }
0xbc: {  	[sflag:s0] =	ssyncadd.remote.s32 $0x1  }
0xbd: {  	_ =	sfence.sel $0xFFFF  }
0xbe: {  	[dreg:$0x0] =	wrdreg $0xFFFFFFFF;
	(pc) =	sbr.abs _section_cstart, $3  }
0xbf: {  	[dreg:$0x1] =	wrdreg $0xFFFFFFFF  }
0xc0: {  	_ =	task.clear_ibuf [dreg:s6], $0x2FFFF;
	_ =	strace $0x9FFFFFFF  }
0xc1: {  	(tm) =	ssettm $0x7FFFFFFF  }
tec
execute0_lowered:
.L_overlay_start_1:
0x0: {  	(tag) =	ssettag $0x1  }
0x1: {  	s1 =	srdreg.scid  }
0x2: {  	s0 =	stileid.u32;
	s10 =	sand.u32 $0x1, s1  }
0x3: {  	s30 =	sshll.u32 s0, $0xB;
	s2 =	sshll.u32 s10, $0xA  }
0x4: {  	s9 =	rddreg [dreg:$0x0];
	s11 =	sor.u32 s2, s30  }
0x5: {  	s1 =	rddreg [dreg:$0x1];
	s2 =	simm.s32 $0x0;
	s3 =	sshrl.u32 s11, $0x3  }
0x6: {  	[smem:$0x7FF] =	sst s2;
	s3 =	sadd.s32 s3, s9  }
0x7: {  	_ =	strace $0x80000047;
	s4 =	sadd.s32 $0x22200, s3;
	s3 =	simm.s32 $0x2  }
0x8: {  	[tilespmem:s2], [sflag:$0x2] =	stream.linear.gather [hbm4b:s4+s2], $0x400, $0x38;
	[tilespmem:$0x10400] =	vst v63  }
0x9: {  	_ =	swait.ge [sflag:s3], $0x400  }
0xa: {  	s6 =	simm.s32 $0x200;
	s7 =	simm.s32 $0x400;
	[sflag:s3] =	ssyncset.done $0x0  }
0xb: {  	s8 =	simm.s32 $0x1;
	s5 =	sadd.s32 $0x2200, s9;
	[sflag:s3] =	ssyncadd.s32 $0xFFFFFC00  }
0xc: {  	[tilespmem:s7], [sflag:$0x1] =	stream.indirect.gather [hbm4b:s5+s6], $0x80, s2, s6, $0xb8;
	[tilespmem:$0x10400] =	vst v63  }
0xd: {  	s11 =	sshll.u32 s11, $0x4;
	_ =	swait.ge [sflag:s8], $0x10000  }
0xe: {  	s11 =	sadd.s32 s11, s9;
	[sflag:s8] =	ssyncset.done $0x0  }
0xf: {  	s10 =	ssub.s32 $0x2, s10;
	s9 =	sadd.s32 $0x23200, s11;
	[sflag:s8] =	ssyncadd.s32 $0xFFFF0000  }
0x10: {  	[hbm4b:s9+s2] =	stream.linear.scatter [tilespmem:s7], [sflag:$0x2], $0x10000, $0x38;
	[tilespmem:$0x10400] =	vst v63  }
0x11: {  	s12 =	sshrl.u32 s10, $0x1;
	_ =	swait.ge [sflag:s3], $0x10000  }
0x12: {  	s12 =	ssub.s32 s10, s12;
	[sflag:s3] =	ssyncset.done $0x0  }
0x13: {  	s31 =	smax.u32 s12, $0x1;
	[sflag:s3] =	ssyncadd.s32 $0xFFFF0000  }
0x14: {  	[tilespmem:s7], [sflag:$0x1] =	stream.indirect.gather [hbm4b:s5+s6], $0x80, s6, s6, $0xb8;
	[tilespmem:$0x10400] =	vst v63  }
0x15: {  	p0 =	sne.s32 s31, $0x1;
	_ =	swait.ge [sflag:s8], $0x10000  }
.Ltmp0:
0x16: {  	[sflag:s8] =	ssyncset.done $0x0;
	(pc) =	sbr.rel @!p0 .LBB2_2-.Ltmp0, $4  }
0x17: {  	s10 =	sadd.s32 $0x25200, s11;
	[sflag:s8] =	ssyncadd.s32 $0xFFFF0000  }
0x18: {  	[hbm4b:s10+s2] =	stream.linear.scatter [tilespmem:s7], [sflag:$0x2], $0x10000, $0x38;
	[tilespmem:$0x10400] =	vst v63  }
0x19: {  	_ =	swait.ge [sflag:s3], $0x10000  }
0x1a: {  	s11 =	sadd.s32 $0xFFFFFFFF, s31;
	[sflag:s3] =	ssyncset.done $0x0  }
.LBB2_1:
0x1b: {  	p0 =	sne.s32 s11, $0x1;
	s11 =	sadd.s32 $0xFFFFFFFF, s11;
	[sflag:s3] =	ssyncadd.s32 $0xFFFF0000  }
0x1c: {  	[tilespmem:s2], [sflag:$0x2] =	stream.linear.gather [hbm4b:s4+s2], $0x400, $0x38;
	[tilespmem:$0x10400] =	vst v63  }
0x1d: {  	_ =	swait.ge [sflag:s3], $0x400  }
0x1e: {  	[sflag:s3] =	ssyncset.done $0x0  }
0x1f: {  	[sflag:s3] =	ssyncadd.s32 $0xFFFFFC00  }
0x20: {  	[tilespmem:s7], [sflag:$0x1] =	stream.indirect.gather [hbm4b:s5+s6], $0x80, s2, s6, $0xb8;
	[tilespmem:$0x10400] =	vst v63  }
0x21: {  	_ =	swait.ge [sflag:s8], $0x10000  }
0x22: {  	[sflag:s8] =	ssyncset.done $0x0  }
0x23: {  	[sflag:s8] =	ssyncadd.s32 $0xFFFF0000  }
0x24: {  	[hbm4b:s9+s2] =	stream.linear.scatter [tilespmem:s7], [sflag:$0x2], $0x10000, $0x38;
	[tilespmem:$0x10400] =	vst v63  }
0x25: {  	_ =	swait.ge [sflag:s3], $0x10000  }
0x26: {  	[sflag:s3] =	ssyncset.done $0x0  }
0x27: {  	[sflag:s3] =	ssyncadd.s32 $0xFFFF0000  }
0x28: {  	[tilespmem:s7], [sflag:$0x1] =	stream.indirect.gather [hbm4b:s5+s6], $0x80, s6, s6, $0xb8;
	[tilespmem:$0x10400] =	vst v63  }
0x29: {  	_ =	swait.ge [sflag:s8], $0x10000  }
.Ltmp1:
0x2a: {  	[sflag:s8] =	ssyncset.done $0x0;
	(pc) =	sbr.rel @p0 .LBB2_1-.Ltmp1, $4  }
0x2b: {  	[sflag:s8] =	ssyncadd.s32 $0xFFFF0000  }
0x2c: {  	[hbm4b:s10+s2] =	stream.linear.scatter [tilespmem:s7], [sflag:$0x2], $0x10000, $0x38;
	[tilespmem:$0x10400] =	vst v63  }
0x2d: {  	_ =	swait.ge [sflag:s3], $0x10000  }
0x2e: {  	[sflag:s3] =	ssyncset.done $0x0  }
.LBB2_2:
0x2f: {  	[sflag:s3] =	ssyncadd.s32 $0xFFFF0000  }
0x30: {  	_ =	sfence.sel $0x180000  }
0x31: {  	[bflag:$0x0] =	sbarrier.arrive $0xFFFF  }
0x32: {  	p0 =	sne.s32 s0, $0x0;
	_ =	strace $0x90000047  }
0x33: {  	s0 =	sadd.s32 @!p0 $0x100000, s1;
	[bflag:$0x2] =	sbarrier.arrive $0xFFFF  }
0x34: {  	[sflag:s0] =	ssyncadd.tile.s32 @!p0 $0x1;
	_ =	shalt  }
.Lfunc_end2:
_tile_overlayer_lowered:
.L_overlay_start_2:
0x35: {  	(tag) =	ssettag $0x2  }
0x36: {  	s0 =	rddreg [dreg:$0x0];
	s2 =	stileid.u32  }
0x37: {  	s1 =	rddreg [dreg:$0x1];
	p0 =	sne.s32 s2, $0x0  }
0x38: {  	s3 =	rddreg [dreg:$0x2];
	[bflag:$0x3] =	sbarrier.arrive $0xFFFF;
	s2 =	simm.s32 @!p0 $0x1C02  }
0x39: {  	[timem:s3], [sflag:s2] =	dma.local @!p0 [hbm:s0], s1  }
0x3a: {  	s0 =	simm.s32 @!p0 $0x2  }
0x3b: {  	_ =	swait.ge @!p0 [sflag:s0], s1  }
0x3c: {  	s1 =	ssub.s32 @!p0 $0x0, s1;
	[sflag:s0] =	ssyncset.done @!p0 $0x0  }
0x3d: {  	[sflag:s0] =	ssyncadd.s32 @!p0 s1  }
0x3e: {  	[bflag:$0x3] =	sbarrier.arrive $0xFFFF  }
0x3f: {  	_ =	shalt  }

</sc_bundles>
